<compile_context>
chip_gen: v7x
topology: tpu7x:2x2x1
jax: 0.10.2.dev20260603
libtpu: 0.0.44.dev20260713+nightly
codegen_flags: <defaults>
</compile_context>

<pallas_src>
import functools

import jax
import jax.numpy as jnp
import numpy as np
from jax import lax
from jax.experimental import pallas as pl

_TWO_PI = 2.0 * np.pi


def _roll(x, s, axis):
    n = x.shape[axis]
    s = s % n
    if s == 0:
        return x
    if axis == 0:
        return jnp.concatenate([x[n - s:, :], x[: n - s, :]], axis=0)
    return jnp.concatenate([x[:, n - s:], x[:, : n - s]], axis=1)


def _sincos_turn(u):
    t4 = u * 4.0
    qf = jnp.floor(t4 + 0.5)
    r = u - qf * 0.25
    qi = qf.astype(jnp.int32)
    b0 = (qi & 1) != 0
    b1 = (qi & 2) != 0
    s2 = r * r
    c = 1.0 + s2 * (-19.739208802178716 + s2 * (64.93939402266829
        + s2 * (-85.45681720669371 + s2 * 60.24464137187666)))
    s = r * (6.283185307179586 + s2 * (-41.34170224039975
        + s2 * (81.60524927607504 + s2 * (-76.70585975306136
        + s2 * 42.05869394489765))))
    x = jnp.where(b0, s, c)
    y = jnp.where(b0, c, s)
    cos_v = jnp.where(b0 ^ b1, -x, x)
    sin_v = jnp.where(b1, -y, y)
    return sin_v, cos_v


def _mc_body(te_ref, to_ref, rpb_ref, rab_ref, rpw_ref, raw_ref, t_ref,
             rpt_ref, te_out_ref, to_out_ref, e_out_ref):
    L, H = te_ref.shape[2], te_ref.shape[3]
    meven = (lax.broadcasted_iota(jnp.int32, (L, H), 0) % 2) == 0

    results = []
    for j in (0, 1):
        t_j = t_ref[0, 0, 0, j]
        te = te_ref[j, 0]
        to = to_ref[j, 0]
        b_u = jnp.where(meven, te, to)
        w_u = jnp.where(meven, to, te)

        def sub_update(cur_u, other_u, prop_u, racc, flip):
            cur = cur_u * _TWO_PI
            prop = prop_u * _TWO_PI
            other = other_u * _TWO_PI
            n_up = _roll(other, 1, 0)
            n_dn = _roll(other, -1, 0)
            o_l = _roll(other, 1, 1)
            o_r = _roll(other, -1, 1)
            if flip:
                n_lf = jnp.where(meven, o_l, other)
                n_rt = jnp.where(meven, other, o_r)
            else:
                n_lf = jnp.where(meven, other, o_l)
                n_rt = jnp.where(meven, o_r, other)
            e_old = -(((jnp.cos(cur - n_up) + jnp.cos(cur - n_dn))
                       + jnp.cos(cur - n_lf)) + jnp.cos(cur - n_rt))
            e_new = -(((jnp.cos(prop - n_up) + jnp.cos(prop - n_dn))
                       + jnp.cos(prop - n_lf)) + jnp.cos(prop - n_rt))
            d_e = e_new - e_old
            acc = racc < jnp.exp(jnp.minimum(-d_e / t_j, 30.0))
            return jnp.where(acc, prop_u, cur_u)

        bn_u = sub_update(b_u, w_u, rpb_ref[j, 0], rab_ref[j, 0], True)
        wn_u = sub_update(w_u, bn_u, rpw_ref[j, 0], raw_ref[j, 0], False)
        bnew = bn_u * _TWO_PI
        wnew = wn_u * _TWO_PI

        sb, cb = _sincos_turn(bn_u)
        sw, cw = _sincos_turn(wn_u)
        bond = (cb * (_roll(cw, -1, 0) + jnp.where(meven, cw, _roll(cw, -1, 1)))
                + sb * (_roll(sw, -1, 0) + jnp.where(meven, sw, _roll(sw, -1, 1)))
                + cw * (_roll(cb, -1, 0) + jnp.where(meven, _roll(cb, -1, 1), cb))
                + sw * (_roll(sb, -1, 0) + jnp.where(meven, _roll(sb, -1, 1), sb)))
        e_img = -jnp.sum(bond)
        results.append((bnew, wnew, e_img, t_j))

    (b0, w0, e0, t0), (b1, w1, e1, t1) = results
    dlt = (1.0 / t0 - 1.0 / t1) * (e0 - e1)
    accp = rpt_ref[0, 0, 0, 0] < jnp.exp(jnp.minimum(dlt, 30.0))
    finals = ((jnp.where(accp, b1, b0), jnp.where(accp, w1, w0)),
              (jnp.where(accp, b0, b1), jnp.where(accp, w0, w1)))
    e_out_ref[0, 0, 0] = jnp.full((8, 128), jnp.where(accp, e1, e0),
                                  dtype=jnp.float32)
    e_out_ref[0, 0, 1] = jnp.full((8, 128), jnp.where(accp, e0, e1),
                                  dtype=jnp.float32)
    for j, (bf, wf) in enumerate(finals):
        te_out_ref[j, 0] = jnp.where(meven, bf, wf)
        to_out_ref[j, 0] = jnp.where(meven, wf, bf)


@jax.jit
def kernel(theta, T, rand_prop_black, rand_acc_black, rand_prop_white,
           rand_acc_white, rand_pt):
    B, C, L, _ = theta.shape
    H = L // 2
    P = B // 2

    th_r = theta.reshape(B, C, L, H, 2)
    te = th_r[..., 0]
    to = th_r[..., 1]
    rpb = rand_prop_black.reshape(B, C, L, H)
    rab = rand_acc_black.reshape(B, C, L, H)
    rpw = rand_prop_white.reshape(B, C, L, H)
    raw = rand_acc_white.reshape(B, C, L, H)
    t4 = T.reshape(P, 1, 1, 2)
    rpt4 = rand_pt.reshape(P, C, 1, 1)

    big = pl.BlockSpec((2, 1, L, H), lambda p, c: (p, c, 0, 0))
    t_spec = pl.BlockSpec((1, 1, 1, 2), lambda p, c: (p, 0, 0, 0))
    rpt_spec = pl.BlockSpec((1, 1, 1, 1), lambda p, c: (p, c, 0, 0))
    e_spec = pl.BlockSpec((1, 1, 2, 8, 128), lambda p, c: (p, c, 0, 0, 0))

    te_out, to_out, e5 = pl.pallas_call(
        _mc_body,
        grid=(P, C),
        in_specs=[big, big, big, big, big, big, t_spec, rpt_spec],
        out_specs=[big, big, e_spec],
        out_shape=[
            jax.ShapeDtypeStruct((B, C, L, H), jnp.float32),
            jax.ShapeDtypeStruct((B, C, L, H), jnp.float32),
            jax.ShapeDtypeStruct((P, C, 2, 8, 128), jnp.float32),
        ],
    )(te, to, rpb, rab, rpw, raw, t4, rpt4)

    th_out = jnp.stack([te_out, to_out], axis=-1).reshape(B, C, L, L)
    e_out = e5[:, :, :, 0, 0].transpose(0, 2, 1).reshape(B, C)
    return th_out, e_out

# --- scband reference (transcript-rebuilt; emitter-appended) ---
"""Pipeline reference for scband-monte-carlo-sampler-59158879535839 (READ-ONLY COPY).

The authoritative reference and input builder live on the scoring server;
editing this copy changes nothing except your own understanding.
"""

import jax, jax.numpy as jnp
import numpy as np


def _checkerboard(L):
    ii, jj = np.meshgrid(np.arange(L), np.arange(L), indexing='ij')
    mask = (ii + jj) % 2 == 0

    def flat_and_nbrs(i, j):
        sites = i * L + j
        ni = np.stack([(i - 1) % L, (i + 1) % L, i, i], axis=1)
        nj = np.stack([j, j, (j - 1) % L, (j + 1) % L], axis=1)
        return sites, ni * L + nj

    b_sites, b_nbrs = flat_and_nbrs(ii[mask], jj[mask])
    w_sites, w_nbrs = flat_and_nbrs(ii[~mask], jj[~mask])
    return (jnp.asarray(b_sites), jnp.asarray(b_nbrs),
            jnp.asarray(w_sites), jnp.asarray(w_nbrs))


def _forward(theta, T, rpb, rab, rpw, raw, rpt):
    # One checkerboard Metropolis sweep of the XY model + one parallel-tempering
    # exchange pass, mirroring MonteCarloSampler.one_sweep() +
    # parallel_tempering_exchange() with precomputed uniform randoms.
    J = 1.0
    B, C, L, _ = theta.shape
    two_pi = 2.0 * np.pi
    th = (theta * two_pi).reshape(B, C, L * L)
    b_sites, b_nbrs, w_sites, w_nbrs = _checkerboard(L)

    def sub_update(th_flat, sites, nbrs, r_prop, r_acc):
        cur = jnp.take(th_flat, sites, axis=2)                 # [B,C,Ns] gather
        nb = jnp.take(th_flat, nbrs, axis=2)                   # [B,C,Ns,4] gather
        prop = r_prop * two_pi
        e_old = -J * jnp.sum(jnp.cos(cur[..., None] - nb), axis=-1)
        e_new = -J * jnp.sum(jnp.cos(prop[..., None] - nb), axis=-1)
        dE = e_new - e_old
        acc = r_acc < jnp.exp(jnp.minimum(-dE / T[:, None, None], 30.0))
        return th_flat.at[:, :, sites].set(jnp.where(acc, prop, cur))  # scatter-set

    th = sub_update(th, b_sites, b_nbrs, rpb, rab)
    th = sub_update(th, w_sites, w_nbrs, rpw, raw)
    th2 = th.reshape(B, C, L, L)
    E = -J * jnp.sum(jnp.cos(th2 - jnp.roll(th2, -1, axis=2))
                     + jnp.cos(th2 - jnp.roll(th2, -1, axis=3)), axis=(2, 3))

    # parallel tempering exchange between adjacent temperature pairs (even pairs)
    beta = 1.0 / T
    E0, E1 = E[0::2], E[1::2]
    dlt = (beta[0::2] - beta[1::2])[:, None] * (E0 - E1)
    acc = rpt < jnp.exp(jnp.minimum(dlt, 30.0))
    t0, t1 = th2[0::2], th2[1::2]
    m = acc[:, :, None, None]
    th2 = th2.at[0::2].set(jnp.where(m, t1, t0))
    th2 = th2.at[1::2].set(jnp.where(m, t0, t1))
    E = E.at[0::2].set(jnp.where(acc, E1, E0))
    E = E.at[1::2].set(jnp.where(acc, E0, E1))
    return th2, E


def setup_inputs(seed: int = 0):
    key = jax.random.key(seed)
    ks = jax.random.split(key, 6)
    B, C, L = 32, 8, 256
    N = (L * L) // 2
    return {
        "theta": jax.random.uniform(ks[0], (B, C, L, L), dtype=jnp.float32),
        "T": 0.5 + 0.1 * jnp.arange(B, dtype=jnp.float32),
        "rand_prop_black": jax.random.uniform(ks[1], (B, C, N), dtype=jnp.float32),
        "rand_acc_black": jax.random.uniform(ks[2], (B, C, N), dtype=jnp.float32),
        "rand_prop_white": jax.random.uniform(ks[3], (B, C, N), dtype=jnp.float32),
        "rand_acc_white": jax.random.uniform(ks[4], (B, C, N), dtype=jnp.float32),
        "rand_pt": jax.random.uniform(ks[5], (B // 2, C), dtype=jnp.float32),
    }


def reference(theta, T, rand_prop_black, rand_acc_black, rand_prop_white, rand_acc_white, rand_pt):
    return _forward(theta, T, rand_prop_black, rand_acc_black,
                    rand_prop_white, rand_acc_white, rand_pt)

if __name__ == "__main__":
    import jax
    _d = setup_inputs()
    print(jax.jit(kernel)(*tuple(_d.values())))

</pallas_src>

<mosaic_0001>
module attributes {stable_mosaic.version = 14 : i64} {
  func.func @_mc_body(%arg0: i32, %arg1: i32, %arg2: memref<2x1x256x128xf32, #tpu.memory_space<vmem>>, %arg3: memref<2x1x256x128xf32, #tpu.memory_space<vmem>>, %arg4: memref<2x1x256x128xf32, #tpu.memory_space<vmem>>, %arg5: memref<2x1x256x128xf32, #tpu.memory_space<vmem>>, %arg6: memref<2x1x256x128xf32, #tpu.memory_space<vmem>>, %arg7: memref<2x1x256x128xf32, #tpu.memory_space<vmem>>, %arg8: memref<1x1x1x2xf32, #tpu.memory_space<vmem>>, %arg9: memref<1x1x1x1xf32, #tpu.memory_space<vmem>>, %arg10: memref<2x1x256x128xf32, #tpu.memory_space<vmem>>, %arg11: memref<2x1x256x128xf32, #tpu.memory_space<vmem>>, %arg12: memref<1x1x2x8x128xf32, #tpu.memory_space<vmem>>) attributes {dimension_semantics = [#tpu.dimension_semantics<arbitrary>, #tpu.dimension_semantics<arbitrary>], iteration_bounds = array<i64: 16, 8>, scalar_prefetch = 0 : i64, scratch_operands = 0 : i64, tpu.core_type = #tpu.core_type<tc>, window_params = [{transform_indices = @transform_0, window_bounds = array<i64: 2, 1, 256, 128>}, {transform_indices = @transform_1, window_bounds = array<i64: 2, 1, 256, 128>}, {transform_indices = @transform_2, window_bounds = array<i64: 2, 1, 256, 128>}, {transform_indices = @transform_3, window_bounds = array<i64: 2, 1, 256, 128>}, {transform_indices = @transform_4, window_bounds = array<i64: 2, 1, 256, 128>}, {transform_indices = @transform_5, window_bounds = array<i64: 2, 1, 256, 128>}, {transform_indices = @transform_6, window_bounds = array<i64: 1, 1, 1, 2>}, {transform_indices = @transform_7, window_bounds = array<i64: 1, 1, 1, 1>}, {transform_indices = @transform_8, window_bounds = array<i64: 2, 1, 256, 128>}, {transform_indices = @transform_9, window_bounds = array<i64: 2, 1, 256, 128>}, {transform_indices = @transform_10, window_bounds = array<i64: 1, 1, 2, 8, 128>}]} {
    %iota3A = tpu.iota {dimensions = array<i32: 0>} : vector<256x128xi32>
    %jit3A = arith.constant 2 : i32
    %eq3A = arith.constant 0 : i32
    %eq3A_0 = arith.cmpi eq, %jit3A, %eq3A : i32
    %jit3A_1 = arith.constant 1 : i32
    %select_n3A = arith.select %eq3A_0, %jit3A_1, %jit3A : i32
    %rem3A = vector.broadcast %select_n3A : i32 to vector<256x128xi32>
    %rem3A_2 = arith.remsi %iota3A, %rem3A : vector<256x128xi32>
    %ne3A = arith.constant 0 : i32
    %ne3A_3 = vector.broadcast %ne3A : i32 to vector<256x128xi32>
    %ne3A_4 = arith.cmpi ne, %rem3A_2, %ne3A_3 : vector<256x128xi32>
    %lt3A = arith.constant 0 : i32
    %lt3A_5 = vector.broadcast %lt3A : i32 to vector<256x128xi32>
    %lt3A_6 = arith.cmpi slt, %rem3A_2, %lt3A_5 : vector<256x128xi32>
    %lt3A_7 = arith.constant 0 : i32
    %lt3A_8 = arith.cmpi slt, %select_n3A, %lt3A_7 : i32
    %ne3A_9 = vector.broadcast %lt3A_8 : i1 to vector<256x128xi1>
    %ne3A_10 = vector.broadcast %ne3A_9 : vector<256x128xi1> to vector<256x128xi1>
    %ne3A_11 = arith.xori %lt3A_6, %ne3A_10 : vector<256x128xi1>
    %and3A = arith.andi %ne3A_11, %ne3A_4 : vector<256x128xi1>
    %add3A = vector.broadcast %select_n3A : i32 to vector<256x128xi32>
    %add3A_12 = arith.addi %rem3A_2, %add3A : vector<256x128xi32>
    %select_n3A_13 = arith.select %and3A, %add3A_12, %rem3A_2 : vector<256x128xi1>, vector<256x128xi32>
    %eq3A_14 = arith.constant 0 : i32
    %eq3A_15 = vector.broadcast %eq3A_14 : i32 to vector<256x128xi32>
    %eq3A_16 = arith.cmpi eq, %select_n3A_13, %eq3A_15 : vector<256x128xi32>
    %get3A = arith.constant 0 : index
    %get3A_17 = arith.constant 0 : index
    %get3A_18 = arith.constant 0 : index
    %get3A_19 = arith.constant 0 : index
    %get3A_20 = vector.load %arg8[%get3A, %get3A_17, %get3A_18, %get3A_19] : memref<1x1x1x2xf32, #tpu.memory_space<vmem>>, vector<1x1x1x1xf32>
    %get3A_21 = vector.extract %get3A_20[0, 0, 0, 0] : f32 from vector<1x1x1x1xf32>
    %get3A_22 = arith.constant 0 : index
    %get3A_23 = arith.constant 0 : index
    %get3A_24 = arith.constant 0 : index
    %get3A_25 = arith.constant 0 : index
    %get3A_26 = vector.load %arg2[%get3A_22, %get3A_23, %get3A_24, %get3A_25] : memref<2x1x256x128xf32, #tpu.memory_space<vmem>>, vector<1x1x256x128xf32>
    %get3A_27 = vector.shape_cast %get3A_26 : vector<1x1x256x128xf32> to vector<256x128xf32>
    %get3A_28 = arith.constant 0 : index
    %get3A_29 = arith.constant 0 : index
    %get3A_30 = arith.constant 0 : index
    %get3A_31 = arith.constant 0 : index
    %get3A_32 = vector.load %arg3[%get3A_28, %get3A_29, %get3A_30, %get3A_31] : memref<2x1x256x128xf32, #tpu.memory_space<vmem>>, vector<1x1x256x128xf32>
    %get3A_33 = vector.shape_cast %get3A_32 : vector<1x1x256x128xf32> to vector<256x128xf32>
    %select_n3A_34 = arith.select %eq3A_16, %get3A_27, %get3A_33 : vector<256x128xi1>, vector<256x128xf32>
    %select_n3A_35 = arith.select %eq3A_16, %get3A_33, %get3A_27 : vector<256x128xi1>, vector<256x128xf32>
    %get3A_36 = arith.constant 0 : index
    %get3A_37 = arith.constant 0 : index
    %get3A_38 = arith.constant 0 : index
    %get3A_39 = arith.constant 0 : index
    %get3A_40 = vector.load %arg4[%get3A_36, %get3A_37, %get3A_38, %get3A_39] : memref<2x1x256x128xf32, #tpu.memory_space<vmem>>, vector<1x1x256x128xf32>
    %get3A_41 = vector.shape_cast %get3A_40 : vector<1x1x256x128xf32> to vector<256x128xf32>
    %get3A_42 = arith.constant 0 : index
    %get3A_43 = arith.constant 0 : index
    %get3A_44 = arith.constant 0 : index
    %get3A_45 = arith.constant 0 : index
    %get3A_46 = vector.load %arg5[%get3A_42, %get3A_43, %get3A_44, %get3A_45] : memref<2x1x256x128xf32, #tpu.memory_space<vmem>>, vector<1x1x256x128xf32>
    %get3A_47 = vector.shape_cast %get3A_46 : vector<1x1x256x128xf32> to vector<256x128xf32>
    %mul3A = arith.constant 6.28318548 : f32
    %mul3A_48 = vector.broadcast %mul3A : f32 to vector<256x128xf32>
    %mul3A_49 = arith.mulf %select_n3A_34, %mul3A_48 : vector<256x128xf32>
    %mul3A_50 = arith.constant 6.28318548 : f32
    %mul3A_51 = vector.broadcast %mul3A_50 : f32 to vector<256x128xf32>
    %mul3A_52 = arith.mulf %get3A_41, %mul3A_51 : vector<256x128xf32>
    %mul3A_53 = arith.constant 6.28318548 : f32
    %mul3A_54 = vector.broadcast %mul3A_53 : f32 to vector<256x128xf32>
    %mul3A_55 = arith.mulf %select_n3A_35, %mul3A_54 : vector<256x128xf32>
    %slice3A = vector.extract_strided_slice %mul3A_55 {offsets = [255, 0], sizes = [1, 128], strides = [1, 1]} : vector<256x128xf32> to vector<1x128xf32>
    %slice3A_56 = vector.extract_strided_slice %mul3A_55 {offsets = [0, 0], sizes = [255, 128], strides = [1, 1]} : vector<256x128xf32> to vector<255x128xf32>
    %concatenate3A = tpu.concatenate %slice3A, %slice3A_56 in 0 : vector<1x128xf32>, vector<255x128xf32> -> vector<256x128xf32>
    %slice3A_57 = vector.extract_strided_slice %mul3A_55 {offsets = [1, 0], sizes = [255, 128], strides = [1, 1]} : vector<256x128xf32> to vector<255x128xf32>
    %slice3A_58 = vector.extract_strided_slice %mul3A_55 {offsets = [0, 0], sizes = [1, 128], strides = [1, 1]} : vector<256x128xf32> to vector<1x128xf32>
    %concatenate3A_59 = tpu.concatenate %slice3A_57, %slice3A_58 in 0 : vector<255x128xf32>, vector<1x128xf32> -> vector<256x128xf32>
    %slice3A_60 = vector.extract_strided_slice %mul3A_55 {offsets = [0, 127], sizes = [256, 1], strides = [1, 1]} : vector<256x128xf32> to vector<256x1xf32>
    %slice3A_61 = vector.extract_strided_slice %mul3A_55 {offsets = [0, 0], sizes = [256, 127], strides = [1, 1]} : vector<256x128xf32> to vector<256x127xf32>
    %concatenate3A_62 = tpu.concatenate %slice3A_60, %slice3A_61 in 1 : vector<256x1xf32>, vector<256x127xf32> -> vector<256x128xf32>
    %slice3A_63 = vector.extract_strided_slice %mul3A_55 {offsets = [0, 1], sizes = [256, 127], strides = [1, 1]} : vector<256x128xf32> to vector<256x127xf32>
    %slice3A_64 = vector.extract_strided_slice %mul3A_55 {offsets = [0, 0], sizes = [256, 1], strides = [1, 1]} : vector<256x128xf32> to vector<256x1xf32>
    %concatenate3A_65 = tpu.concatenate %slice3A_63, %slice3A_64 in 1 : vector<256x127xf32>, vector<256x1xf32> -> vector<256x128xf32>
    %select_n3A_66 = arith.select %eq3A_16, %concatenate3A_62, %mul3A_55 : vector<256x128xi1>, vector<256x128xf32>
    %select_n3A_67 = arith.select %eq3A_16, %mul3A_55, %concatenate3A_65 : vector<256x128xi1>, vector<256x128xf32>
    %sub3A = arith.subf %mul3A_49, %concatenate3A : vector<256x128xf32>
    %cos3A = math.cos %sub3A : vector<256x128xf32>
    %sub3A_68 = arith.subf %mul3A_49, %concatenate3A_59 : vector<256x128xf32>
    %cos3A_69 = math.cos %sub3A_68 : vector<256x128xf32>
    %add3A_70 = arith.addf %cos3A, %cos3A_69 : vector<256x128xf32>
    %sub3A_71 = arith.subf %mul3A_49, %select_n3A_66 : vector<256x128xf32>
    %cos3A_72 = math.cos %sub3A_71 : vector<256x128xf32>
    %add3A_73 = arith.addf %add3A_70, %cos3A_72 : vector<256x128xf32>
    %sub3A_74 = arith.subf %mul3A_49, %select_n3A_67 : vector<256x128xf32>
    %cos3A_75 = math.cos %sub3A_74 : vector<256x128xf32>
    %add3A_76 = arith.addf %add3A_73, %cos3A_75 : vector<256x128xf32>
    %neg3A = arith.constant 0.000000e+00 : f32
    %neg3A_77 = vector.broadcast %neg3A : f32 to vector<256x128xf32>
    %neg3A_78 = arith.subf %neg3A_77, %add3A_76 : vector<256x128xf32>
    %sub3A_79 = arith.subf %mul3A_52, %concatenate3A : vector<256x128xf32>
    %cos3A_80 = math.cos %sub3A_79 : vector<256x128xf32>
    %sub3A_81 = arith.subf %mul3A_52, %concatenate3A_59 : vector<256x128xf32>
    %cos3A_82 = math.cos %sub3A_81 : vector<256x128xf32>
    %add3A_83 = arith.addf %cos3A_80, %cos3A_82 : vector<256x128xf32>
    %sub3A_84 = arith.subf %mul3A_52, %select_n3A_66 : vector<256x128xf32>
    %cos3A_85 = math.cos %sub3A_84 : vector<256x128xf32>
    %add3A_86 = arith.addf %add3A_83, %cos3A_85 : vector<256x128xf32>
    %sub3A_87 = arith.subf %mul3A_52, %select_n3A_67 : vector<256x128xf32>
    %cos3A_88 = math.cos %sub3A_87 : vector<256x128xf32>
    %add3A_89 = arith.addf %add3A_86, %cos3A_88 : vector<256x128xf32>
    %neg3A_90 = arith.constant 0.000000e+00 : f32
    %neg3A_91 = vector.broadcast %neg3A_90 : f32 to vector<256x128xf32>
    %neg3A_92 = arith.subf %neg3A_91, %add3A_89 : vector<256x128xf32>
    %sub3A_93 = arith.subf %neg3A_92, %neg3A_78 : vector<256x128xf32>
    %neg3A_94 = arith.constant 0.000000e+00 : f32
    %neg3A_95 = vector.broadcast %neg3A_94 : f32 to vector<256x128xf32>
    %neg3A_96 = arith.subf %neg3A_95, %sub3A_93 : vector<256x128xf32>
    %div3A = vector.broadcast %get3A_21 : f32 to vector<256x128xf32>
    %div3A_97 = arith.divf %neg3A_96, %div3A : vector<256x128xf32>
    %min3A = arith.constant 3.000000e+01 : f32
    %min3A_98 = vector.broadcast %min3A : f32 to vector<256x128xf32>
    %min3A_99 = arith.minimumf %div3A_97, %min3A_98 : vector<256x128xf32>
    %exp3A = math.exp %min3A_99 : vector<256x128xf32>
    %lt3A_100 = arith.cmpf olt, %get3A_47, %exp3A : vector<256x128xf32>
    %select_n3A_101 = arith.select %lt3A_100, %get3A_41, %select_n3A_34 : vector<256x128xi1>, vector<256x128xf32>
    %get3A_102 = arith.constant 0 : index
    %get3A_103 = arith.constant 0 : index
    %get3A_104 = arith.constant 0 : index
    %get3A_105 = arith.constant 0 : index
    %get3A_106 = vector.load %arg6[%get3A_102, %get3A_103, %get3A_104, %get3A_105] : memref<2x1x256x128xf32, #tpu.memory_space<vmem>>, vector<1x1x256x128xf32>
    %get3A_107 = vector.shape_cast %get3A_106 : vector<1x1x256x128xf32> to vector<256x128xf32>
    %get3A_108 = arith.constant 0 : index
    %get3A_109 = arith.constant 0 : index
    %get3A_110 = arith.constant 0 : index
    %get3A_111 = arith.constant 0 : index
    %get3A_112 = vector.load %arg7[%get3A_108, %get3A_109, %get3A_110, %get3A_111] : memref<2x1x256x128xf32, #tpu.memory_space<vmem>>, vector<1x1x256x128xf32>
    %get3A_113 = vector.shape_cast %get3A_112 : vector<1x1x256x128xf32> to vector<256x128xf32>
    %mul3A_114 = arith.constant 6.28318548 : f32
    %mul3A_115 = vector.broadcast %mul3A_114 : f32 to vector<256x128xf32>
    %mul3A_116 = arith.mulf %select_n3A_35, %mul3A_115 : vector<256x128xf32>
    %mul3A_117 = arith.constant 6.28318548 : f32
    %mul3A_118 = vector.broadcast %mul3A_117 : f32 to vector<256x128xf32>
    %mul3A_119 = arith.mulf %get3A_107, %mul3A_118 : vector<256x128xf32>
    %mul3A_120 = arith.constant 6.28318548 : f32
    %mul3A_121 = vector.broadcast %mul3A_120 : f32 to vector<256x128xf32>
    %mul3A_122 = arith.mulf %select_n3A_101, %mul3A_121 : vector<256x128xf32>
    %slice3A_123 = vector.extract_strided_slice %mul3A_122 {offsets = [255, 0], sizes = [1, 128], strides = [1, 1]} : vector<256x128xf32> to vector<1x128xf32>
    %slice3A_124 = vector.extract_strided_slice %mul3A_122 {offsets = [0, 0], sizes = [255, 128], strides = [1, 1]} : vector<256x128xf32> to vector<255x128xf32>
    %concatenate3A_125 = tpu.concatenate %slice3A_123, %slice3A_124 in 0 : vector<1x128xf32>, vector<255x128xf32> -> vector<256x128xf32>
    %slice3A_126 = vector.extract_strided_slice %mul3A_122 {offsets = [1, 0], sizes = [255, 128], strides = [1, 1]} : vector<256x128xf32> to vector<255x128xf32>
    %slice3A_127 = vector.extract_strided_slice %mul3A_122 {offsets = [0, 0], sizes = [1, 128], strides = [1, 1]} : vector<256x128xf32> to vector<1x128xf32>
    %concatenate3A_128 = tpu.concatenate %slice3A_126, %slice3A_127 in 0 : vector<255x128xf32>, vector<1x128xf32> -> vector<256x128xf32>
    %slice3A_129 = vector.extract_strided_slice %mul3A_122 {offsets = [0, 127], sizes = [256, 1], strides = [1, 1]} : vector<256x128xf32> to vector<256x1xf32>
    %slice3A_130 = vector.extract_strided_slice %mul3A_122 {offsets = [0, 0], sizes = [256, 127], strides = [1, 1]} : vector<256x128xf32> to vector<256x127xf32>
    %concatenate3A_131 = tpu.concatenate %slice3A_129, %slice3A_130 in 1 : vector<256x1xf32>, vector<256x127xf32> -> vector<256x128xf32>
    %slice3A_132 = vector.extract_strided_slice %mul3A_122 {offsets = [0, 1], sizes = [256, 127], strides = [1, 1]} : vector<256x128xf32> to vector<256x127xf32>
    %slice3A_133 = vector.extract_strided_slice %mul3A_122 {offsets = [0, 0], sizes = [256, 1], strides = [1, 1]} : vector<256x128xf32> to vector<256x1xf32>
    %concatenate3A_134 = tpu.concatenate %slice3A_132, %slice3A_133 in 1 : vector<256x127xf32>, vector<256x1xf32> -> vector<256x128xf32>
    %select_n3A_135 = arith.select %eq3A_16, %mul3A_122, %concatenate3A_131 : vector<256x128xi1>, vector<256x128xf32>
    %select_n3A_136 = arith.select %eq3A_16, %concatenate3A_134, %mul3A_122 : vector<256x128xi1>, vector<256x128xf32>
    %sub3A_137 = arith.subf %mul3A_116, %concatenate3A_125 : vector<256x128xf32>
    %cos3A_138 = math.cos %sub3A_137 : vector<256x128xf32>
    %sub3A_139 = arith.subf %mul3A_116, %concatenate3A_128 : vector<256x128xf32>
    %cos3A_140 = math.cos %sub3A_139 : vector<256x128xf32>
    %add3A_141 = arith.addf %cos3A_138, %cos3A_140 : vector<256x128xf32>
    %sub3A_142 = arith.subf %mul3A_116, %select_n3A_135 : vector<256x128xf32>
    %cos3A_143 = math.cos %sub3A_142 : vector<256x128xf32>
    %add3A_144 = arith.addf %add3A_141, %cos3A_143 : vector<256x128xf32>
    %sub3A_145 = arith.subf %mul3A_116, %select_n3A_136 : vector<256x128xf32>
    %cos3A_146 = math.cos %sub3A_145 : vector<256x128xf32>
    %add3A_147 = arith.addf %add3A_144, %cos3A_146 : vector<256x128xf32>
    %neg3A_148 = arith.constant 0.000000e+00 : f32
    %neg3A_149 = vector.broadcast %neg3A_148 : f32 to vector<256x128xf32>
    %neg3A_150 = arith.subf %neg3A_149, %add3A_147 : vector<256x128xf32>
    %sub3A_151 = arith.subf %mul3A_119, %concatenate3A_125 : vector<256x128xf32>
    %cos3A_152 = math.cos %sub3A_151 : vector<256x128xf32>
    %sub3A_153 = arith.subf %mul3A_119, %concatenate3A_128 : vector<256x128xf32>
    %cos3A_154 = math.cos %sub3A_153 : vector<256x128xf32>
    %add3A_155 = arith.addf %cos3A_152, %cos3A_154 : vector<256x128xf32>
    %sub3A_156 = arith.subf %mul3A_119, %select_n3A_135 : vector<256x128xf32>
    %cos3A_157 = math.cos %sub3A_156 : vector<256x128xf32>
    %add3A_158 = arith.addf %add3A_155, %cos3A_157 : vector<256x128xf32>
    %sub3A_159 = arith.subf %mul3A_119, %select_n3A_136 : vector<256x128xf32>
    %cos3A_160 = math.cos %sub3A_159 : vector<256x128xf32>
    %add3A_161 = arith.addf %add3A_158, %cos3A_160 : vector<256x128xf32>
    %neg3A_162 = arith.constant 0.000000e+00 : f32
    %neg3A_163 = vector.broadcast %neg3A_162 : f32 to vector<256x128xf32>
    %neg3A_164 = arith.subf %neg3A_163, %add3A_161 : vector<256x128xf32>
    %sub3A_165 = arith.subf %neg3A_164, %neg3A_150 : vector<256x128xf32>
    %neg3A_166 = arith.constant 0.000000e+00 : f32
    %neg3A_167 = vector.broadcast %neg3A_166 : f32 to vector<256x128xf32>
    %neg3A_168 = arith.subf %neg3A_167, %sub3A_165 : vector<256x128xf32>
    %div3A_169 = vector.broadcast %get3A_21 : f32 to vector<256x128xf32>
    %div3A_170 = arith.divf %neg3A_168, %div3A_169 : vector<256x128xf32>
    %min3A_171 = arith.constant 3.000000e+01 : f32
    %min3A_172 = vector.broadcast %min3A_171 : f32 to vector<256x128xf32>
    %min3A_173 = arith.minimumf %div3A_170, %min3A_172 : vector<256x128xf32>
    %exp3A_174 = math.exp %min3A_173 : vector<256x128xf32>
    %lt3A_175 = arith.cmpf olt, %get3A_113, %exp3A_174 : vector<256x128xf32>
    %select_n3A_176 = arith.select %lt3A_175, %get3A_107, %select_n3A_35 : vector<256x128xi1>, vector<256x128xf32>
    %mul3A_177 = arith.constant 6.28318548 : f32
    %mul3A_178 = vector.broadcast %mul3A_177 : f32 to vector<256x128xf32>
    %mul3A_179 = arith.mulf %select_n3A_101, %mul3A_178 : vector<256x128xf32>
    %mul3A_180 = arith.constant 6.28318548 : f32
    %mul3A_181 = vector.broadcast %mul3A_180 : f32 to vector<256x128xf32>
    %mul3A_182 = arith.mulf %select_n3A_176, %mul3A_181 : vector<256x128xf32>
    %mul3A_183 = arith.constant 4.000000e+00 : f32
    %mul3A_184 = vector.broadcast %mul3A_183 : f32 to vector<256x128xf32>
    %mul3A_185 = arith.mulf %select_n3A_101, %mul3A_184 : vector<256x128xf32>
    %add3A_186 = arith.constant 5.000000e-01 : f32
    %add3A_187 = vector.broadcast %add3A_186 : f32 to vector<256x128xf32>
    %add3A_188 = arith.addf %mul3A_185, %add3A_187 : vector<256x128xf32>
    %floor3A = math.floor %add3A_188 : vector<256x128xf32>
    %mul3A_189 = arith.constant 2.500000e-01 : f32
    %mul3A_190 = vector.broadcast %mul3A_189 : f32 to vector<256x128xf32>
    %mul3A_191 = arith.mulf %floor3A, %mul3A_190 : vector<256x128xf32>
    %sub3A_192 = arith.subf %select_n3A_101, %mul3A_191 : vector<256x128xf32>
    %convert_element_type3A = arith.fptosi %floor3A : vector<256x128xf32> to vector<256x128xi32>
    %and3A_193 = arith.constant 1 : i32
    %and3A_194 = vector.broadcast %and3A_193 : i32 to vector<256x128xi32>
    %and3A_195 = arith.andi %convert_element_type3A, %and3A_194 : vector<256x128xi32>
    %ne3A_196 = arith.constant 0 : i32
    %ne3A_197 = vector.broadcast %ne3A_196 : i32 to vector<256x128xi32>
    %ne3A_198 = arith.cmpi ne, %and3A_195, %ne3A_197 : vector<256x128xi32>
    %and3A_199 = arith.constant 2 : i32
    %and3A_200 = vector.broadcast %and3A_199 : i32 to vector<256x128xi32>
    %and3A_201 = arith.andi %convert_element_type3A, %and3A_200 : vector<256x128xi32>
    %ne3A_202 = arith.constant 0 : i32
    %ne3A_203 = vector.broadcast %ne3A_202 : i32 to vector<256x128xi32>
    %ne3A_204 = arith.cmpi ne, %and3A_201, %ne3A_203 : vector<256x128xi32>
    %mul3A_205 = arith.mulf %sub3A_192, %sub3A_192 : vector<256x128xf32>
    %mul3A_206 = arith.constant 60.2446404 : f32
    %mul3A_207 = vector.broadcast %mul3A_206 : f32 to vector<256x128xf32>
    %mul3A_208 = arith.mulf %mul3A_205, %mul3A_207 : vector<256x128xf32>
    %add3A_209 = arith.constant -85.4568176 : f32
    %add3A_210 = vector.broadcast %add3A_209 : f32 to vector<256x128xf32>
    %add3A_211 = arith.addf %add3A_210, %mul3A_208 : vector<256x128xf32>
    %mul3A_212 = arith.mulf %mul3A_205, %add3A_211 : vector<256x128xf32>
    %add3A_213 = arith.constant 64.9393921 : f32
    %add3A_214 = vector.broadcast %add3A_213 : f32 to vector<256x128xf32>
    %add3A_215 = arith.addf %add3A_214, %mul3A_212 : vector<256x128xf32>
    %mul3A_216 = arith.mulf %mul3A_205, %add3A_215 : vector<256x128xf32>
    %add3A_217 = arith.constant -19.7392082 : f32
    %add3A_218 = vector.broadcast %add3A_217 : f32 to vector<256x128xf32>
    %add3A_219 = arith.addf %add3A_218, %mul3A_216 : vector<256x128xf32>
    %mul3A_220 = arith.mulf %mul3A_205, %add3A_219 : vector<256x128xf32>
    %add3A_221 = arith.constant 1.000000e+00 : f32
    %add3A_222 = vector.broadcast %add3A_221 : f32 to vector<256x128xf32>
    %add3A_223 = arith.addf %add3A_222, %mul3A_220 : vector<256x128xf32>
    %mul3A_224 = arith.constant 42.0586929 : f32
    %mul3A_225 = vector.broadcast %mul3A_224 : f32 to vector<256x128xf32>
    %mul3A_226 = arith.mulf %mul3A_205, %mul3A_225 : vector<256x128xf32>
    %add3A_227 = arith.constant -76.7058563 : f32
    %add3A_228 = vector.broadcast %add3A_227 : f32 to vector<256x128xf32>
    %add3A_229 = arith.addf %add3A_228, %mul3A_226 : vector<256x128xf32>
    %mul3A_230 = arith.mulf %mul3A_205, %add3A_229 : vector<256x128xf32>
    %add3A_231 = arith.constant 81.6052475 : f32
    %add3A_232 = vector.broadcast %add3A_231 : f32 to vector<256x128xf32>
    %add3A_233 = arith.addf %add3A_232, %mul3A_230 : vector<256x128xf32>
    %mul3A_234 = arith.mulf %mul3A_205, %add3A_233 : vector<256x128xf32>
    %add3A_235 = arith.constant -4.134170e+01 : f32
    %add3A_236 = vector.broadcast %add3A_235 : f32 to vector<256x128xf32>
    %add3A_237 = arith.addf %add3A_236, %mul3A_234 : vector<256x128xf32>
    %mul3A_238 = arith.mulf %mul3A_205, %add3A_237 : vector<256x128xf32>
    %add3A_239 = arith.constant 6.28318548 : f32
    %add3A_240 = vector.broadcast %add3A_239 : f32 to vector<256x128xf32>
    %add3A_241 = arith.addf %add3A_240, %mul3A_238 : vector<256x128xf32>
    %mul3A_242 = arith.mulf %sub3A_192, %add3A_241 : vector<256x128xf32>
    %select_n3A_243 = arith.select %ne3A_198, %mul3A_242, %add3A_223 : vector<256x128xi1>, vector<256x128xf32>
    %select_n3A_244 = arith.select %ne3A_198, %add3A_223, %mul3A_242 : vector<256x128xi1>, vector<256x128xf32>
    %xor3A = arith.xori %ne3A_198, %ne3A_204 : vector<256x128xi1>
    %neg3A_245 = arith.constant 0.000000e+00 : f32
    %neg3A_246 = vector.broadcast %neg3A_245 : f32 to vector<256x128xf32>
    %neg3A_247 = arith.subf %neg3A_246, %select_n3A_243 : vector<256x128xf32>
    %select_n3A_248 = arith.select %xor3A, %neg3A_247, %select_n3A_243 : vector<256x128xi1>, vector<256x128xf32>
    %neg3A_249 = arith.constant 0.000000e+00 : f32
    %neg3A_250 = vector.broadcast %neg3A_249 : f32 to vector<256x128xf32>
    %neg3A_251 = arith.subf %neg3A_250, %select_n3A_244 : vector<256x128xf32>
    %select_n3A_252 = arith.select %ne3A_204, %neg3A_251, %select_n3A_244 : vector<256x128xi1>, vector<256x128xf32>
    %mul3A_253 = arith.constant 4.000000e+00 : f32
    %mul3A_254 = vector.broadcast %mul3A_253 : f32 to vector<256x128xf32>
    %mul3A_255 = arith.mulf %select_n3A_176, %mul3A_254 : vector<256x128xf32>
    %add3A_256 = arith.constant 5.000000e-01 : f32
    %add3A_257 = vector.broadcast %add3A_256 : f32 to vector<256x128xf32>
    %add3A_258 = arith.addf %mul3A_255, %add3A_257 : vector<256x128xf32>
    %floor3A_259 = math.floor %add3A_258 : vector<256x128xf32>
    %mul3A_260 = arith.constant 2.500000e-01 : f32
    %mul3A_261 = vector.broadcast %mul3A_260 : f32 to vector<256x128xf32>
    %mul3A_262 = arith.mulf %floor3A_259, %mul3A_261 : vector<256x128xf32>
    %sub3A_263 = arith.subf %select_n3A_176, %mul3A_262 : vector<256x128xf32>
    %convert_element_type3A_264 = arith.fptosi %floor3A_259 : vector<256x128xf32> to vector<256x128xi32>
    %and3A_265 = arith.constant 1 : i32
    %and3A_266 = vector.broadcast %and3A_265 : i32 to vector<256x128xi32>
    %and3A_267 = arith.andi %convert_element_type3A_264, %and3A_266 : vector<256x128xi32>
    %ne3A_268 = arith.constant 0 : i32
    %ne3A_269 = vector.broadcast %ne3A_268 : i32 to vector<256x128xi32>
    %ne3A_270 = arith.cmpi ne, %and3A_267, %ne3A_269 : vector<256x128xi32>
    %and3A_271 = arith.constant 2 : i32
    %and3A_272 = vector.broadcast %and3A_271 : i32 to vector<256x128xi32>
    %and3A_273 = arith.andi %convert_element_type3A_264, %and3A_272 : vector<256x128xi32>
    %ne3A_274 = arith.constant 0 : i32
    %ne3A_275 = vector.broadcast %ne3A_274 : i32 to vector<256x128xi32>
    %ne3A_276 = arith.cmpi ne, %and3A_273, %ne3A_275 : vector<256x128xi32>
    %mul3A_277 = arith.mulf %sub3A_263, %sub3A_263 : vector<256x128xf32>
    %mul3A_278 = arith.constant 60.2446404 : f32
    %mul3A_279 = vector.broadcast %mul3A_278 : f32 to vector<256x128xf32>
    %mul3A_280 = arith.mulf %mul3A_277, %mul3A_279 : vector<256x128xf32>
    %add3A_281 = arith.constant -85.4568176 : f32
    %add3A_282 = vector.broadcast %add3A_281 : f32 to vector<256x128xf32>
    %add3A_283 = arith.addf %add3A_282, %mul3A_280 : vector<256x128xf32>
    %mul3A_284 = arith.mulf %mul3A_277, %add3A_283 : vector<256x128xf32>
    %add3A_285 = arith.constant 64.9393921 : f32
    %add3A_286 = vector.broadcast %add3A_285 : f32 to vector<256x128xf32>
    %add3A_287 = arith.addf %add3A_286, %mul3A_284 : vector<256x128xf32>
    %mul3A_288 = arith.mulf %mul3A_277, %add3A_287 : vector<256x128xf32>
    %add3A_289 = arith.constant -19.7392082 : f32
    %add3A_290 = vector.broadcast %add3A_289 : f32 to vector<256x128xf32>
    %add3A_291 = arith.addf %add3A_290, %mul3A_288 : vector<256x128xf32>
    %mul3A_292 = arith.mulf %mul3A_277, %add3A_291 : vector<256x128xf32>
    %add3A_293 = arith.constant 1.000000e+00 : f32
    %add3A_294 = vector.broadcast %add3A_293 : f32 to vector<256x128xf32>
    %add3A_295 = arith.addf %add3A_294, %mul3A_292 : vector<256x128xf32>
    %mul3A_296 = arith.constant 42.0586929 : f32
    %mul3A_297 = vector.broadcast %mul3A_296 : f32 to vector<256x128xf32>
    %mul3A_298 = arith.mulf %mul3A_277, %mul3A_297 : vector<256x128xf32>
    %add3A_299 = arith.constant -76.7058563 : f32
    %add3A_300 = vector.broadcast %add3A_299 : f32 to vector<256x128xf32>
    %add3A_301 = arith.addf %add3A_300, %mul3A_298 : vector<256x128xf32>
    %mul3A_302 = arith.mulf %mul3A_277, %add3A_301 : vector<256x128xf32>
    %add3A_303 = arith.constant 81.6052475 : f32
    %add3A_304 = vector.broadcast %add3A_303 : f32 to vector<256x128xf32>
    %add3A_305 = arith.addf %add3A_304, %mul3A_302 : vector<256x128xf32>
    %mul3A_306 = arith.mulf %mul3A_277, %add3A_305 : vector<256x128xf32>
    %add3A_307 = arith.constant -4.134170e+01 : f32
    %add3A_308 = vector.broadcast %add3A_307 : f32 to vector<256x128xf32>
    %add3A_309 = arith.addf %add3A_308, %mul3A_306 : vector<256x128xf32>
    %mul3A_310 = arith.mulf %mul3A_277, %add3A_309 : vector<256x128xf32>
    %add3A_311 = arith.constant 6.28318548 : f32
    %add3A_312 = vector.broadcast %add3A_311 : f32 to vector<256x128xf32>
    %add3A_313 = arith.addf %add3A_312, %mul3A_310 : vector<256x128xf32>
    %mul3A_314 = arith.mulf %sub3A_263, %add3A_313 : vector<256x128xf32>
    %select_n3A_315 = arith.select %ne3A_270, %mul3A_314, %add3A_295 : vector<256x128xi1>, vector<256x128xf32>
    %select_n3A_316 = arith.select %ne3A_270, %add3A_295, %mul3A_314 : vector<256x128xi1>, vector<256x128xf32>
    %xor3A_317 = arith.xori %ne3A_270, %ne3A_276 : vector<256x128xi1>
    %neg3A_318 = arith.constant 0.000000e+00 : f32
    %neg3A_319 = vector.broadcast %neg3A_318 : f32 to vector<256x128xf32>
    %neg3A_320 = arith.subf %neg3A_319, %select_n3A_315 : vector<256x128xf32>
    %select_n3A_321 = arith.select %xor3A_317, %neg3A_320, %select_n3A_315 : vector<256x128xi1>, vector<256x128xf32>
    %neg3A_322 = arith.constant 0.000000e+00 : f32
    %neg3A_323 = vector.broadcast %neg3A_322 : f32 to vector<256x128xf32>
    %neg3A_324 = arith.subf %neg3A_323, %select_n3A_316 : vector<256x128xf32>
    %select_n3A_325 = arith.select %ne3A_276, %neg3A_324, %select_n3A_316 : vector<256x128xi1>, vector<256x128xf32>
    %slice3A_326 = vector.extract_strided_slice %select_n3A_321 {offsets = [1, 0], sizes = [255, 128], strides = [1, 1]} : vector<256x128xf32> to vector<255x128xf32>
    %slice3A_327 = vector.extract_strided_slice %select_n3A_321 {offsets = [0, 0], sizes = [1, 128], strides = [1, 1]} : vector<256x128xf32> to vector<1x128xf32>
    %concatenate3A_328 = tpu.concatenate %slice3A_326, %slice3A_327 in 0 : vector<255x128xf32>, vector<1x128xf32> -> vector<256x128xf32>
    %slice3A_329 = vector.extract_strided_slice %select_n3A_321 {offsets = [0, 1], sizes = [256, 127], strides = [1, 1]} : vector<256x128xf32> to vector<256x127xf32>
    %slice3A_330 = vector.extract_strided_slice %select_n3A_321 {offsets = [0, 0], sizes = [256, 1], strides = [1, 1]} : vector<256x128xf32> to vector<256x1xf32>
    %concatenate3A_331 = tpu.concatenate %slice3A_329, %slice3A_330 in 1 : vector<256x127xf32>, vector<256x1xf32> -> vector<256x128xf32>
    %select_n3A_332 = arith.select %eq3A_16, %select_n3A_321, %concatenate3A_331 : vector<256x128xi1>, vector<256x128xf32>
    %add3A_333 = arith.addf %concatenate3A_328, %select_n3A_332 : vector<256x128xf32>
    %mul3A_334 = arith.mulf %select_n3A_248, %add3A_333 : vector<256x128xf32>
    %slice3A_335 = vector.extract_strided_slice %select_n3A_325 {offsets = [1, 0], sizes = [255, 128], strides = [1, 1]} : vector<256x128xf32> to vector<255x128xf32>
    %slice3A_336 = vector.extract_strided_slice %select_n3A_325 {offsets = [0, 0], sizes = [1, 128], strides = [1, 1]} : vector<256x128xf32> to vector<1x128xf32>
    %concatenate3A_337 = tpu.concatenate %slice3A_335, %slice3A_336 in 0 : vector<255x128xf32>, vector<1x128xf32> -> vector<256x128xf32>
    %slice3A_338 = vector.extract_strided_slice %select_n3A_325 {offsets = [0, 1], sizes = [256, 127], strides = [1, 1]} : vector<256x128xf32> to vector<256x127xf32>
    %slice3A_339 = vector.extract_strided_slice %select_n3A_325 {offsets = [0, 0], sizes = [256, 1], strides = [1, 1]} : vector<256x128xf32> to vector<256x1xf32>
    %concatenate3A_340 = tpu.concatenate %slice3A_338, %slice3A_339 in 1 : vector<256x127xf32>, vector<256x1xf32> -> vector<256x128xf32>
    %select_n3A_341 = arith.select %eq3A_16, %select_n3A_325, %concatenate3A_340 : vector<256x128xi1>, vector<256x128xf32>
    %add3A_342 = arith.addf %concatenate3A_337, %select_n3A_341 : vector<256x128xf32>
    %mul3A_343 = arith.mulf %select_n3A_252, %add3A_342 : vector<256x128xf32>
    %add3A_344 = arith.addf %mul3A_334, %mul3A_343 : vector<256x128xf32>
    %slice3A_345 = vector.extract_strided_slice %select_n3A_248 {offsets = [1, 0], sizes = [255, 128], strides = [1, 1]} : vector<256x128xf32> to vector<255x128xf32>
    %slice3A_346 = vector.extract_strided_slice %select_n3A_248 {offsets = [0, 0], sizes = [1, 128], strides = [1, 1]} : vector<256x128xf32> to vector<1x128xf32>
    %concatenate3A_347 = tpu.concatenate %slice3A_345, %slice3A_346 in 0 : vector<255x128xf32>, vector<1x128xf32> -> vector<256x128xf32>
    %slice3A_348 = vector.extract_strided_slice %select_n3A_248 {offsets = [0, 1], sizes = [256, 127], strides = [1, 1]} : vector<256x128xf32> to vector<256x127xf32>
    %slice3A_349 = vector.extract_strided_slice %select_n3A_248 {offsets = [0, 0], sizes = [256, 1], strides = [1, 1]} : vector<256x128xf32> to vector<256x1xf32>
    %concatenate3A_350 = tpu.concatenate %slice3A_348, %slice3A_349 in 1 : vector<256x127xf32>, vector<256x1xf32> -> vector<256x128xf32>
    %select_n3A_351 = arith.select %eq3A_16, %concatenate3A_350, %select_n3A_248 : vector<256x128xi1>, vector<256x128xf32>
    %add3A_352 = arith.addf %concatenate3A_347, %select_n3A_351 : vector<256x128xf32>
    %mul3A_353 = arith.mulf %select_n3A_321, %add3A_352 : vector<256x128xf32>
    %add3A_354 = arith.addf %add3A_344, %mul3A_353 : vector<256x128xf32>
    %slice3A_355 = vector.extract_strided_slice %select_n3A_252 {offsets = [1, 0], sizes = [255, 128], strides = [1, 1]} : vector<256x128xf32> to vector<255x128xf32>
    %slice3A_356 = vector.extract_strided_slice %select_n3A_252 {offsets = [0, 0], sizes = [1, 128], strides = [1, 1]} : vector<256x128xf32> to vector<1x128xf32>
    %concatenate3A_357 = tpu.concatenate %slice3A_355, %slice3A_356 in 0 : vector<255x128xf32>, vector<1x128xf32> -> vector<256x128xf32>
    %slice3A_358 = vector.extract_strided_slice %select_n3A_252 {offsets = [0, 1], sizes = [256, 127], strides = [1, 1]} : vector<256x128xf32> to vector<256x127xf32>
    %slice3A_359 = vector.extract_strided_slice %select_n3A_252 {offsets = [0, 0], sizes = [256, 1], strides = [1, 1]} : vector<256x128xf32> to vector<256x1xf32>
    %concatenate3A_360 = tpu.concatenate %slice3A_358, %slice3A_359 in 1 : vector<256x127xf32>, vector<256x1xf32> -> vector<256x128xf32>
    %select_n3A_361 = arith.select %eq3A_16, %concatenate3A_360, %select_n3A_252 : vector<256x128xi1>, vector<256x128xf32>
    %add3A_362 = arith.addf %concatenate3A_357, %select_n3A_361 : vector<256x128xf32>
    %mul3A_363 = arith.mulf %select_n3A_325, %add3A_362 : vector<256x128xf32>
    %add3A_364 = arith.addf %add3A_354, %mul3A_363 : vector<256x128xf32>
    %reduce_sum3A = vector.shape_cast %add3A_364 : vector<256x128xf32> to vector<1x256x128xf32>
    %reduce_sum3A_365 = arith.constant dense<0.000000e+00> : vector<1xf32>
    %reduce_sum3A_366 = vector.multi_reduction <add>, %reduce_sum3A, %reduce_sum3A_365 [1, 2] : vector<1x256x128xf32> to vector<1xf32>
    %reduce_sum3A_367 = vector.shape_cast %reduce_sum3A_366 : vector<1xf32> to vector<1x1x1xf32>
    %reduce_sum3A_368 = vector.extract %reduce_sum3A_367[0, 0, 0] : f32 from vector<1x1x1xf32>
    %neg3A_369 = arith.constant 0.000000e+00 : f32
    %neg3A_370 = arith.subf %neg3A_369, %reduce_sum3A_368 : f32
    %get3A_371 = arith.constant 0 : index
    %get3A_372 = arith.constant 0 : index
    %get3A_373 = arith.constant 0 : index
    %get3A_374 = arith.constant 1 : index
    %get3A_375 = vector.load %arg8[%get3A_371, %get3A_372, %get3A_373, %get3A_374] : memref<1x1x1x2xf32, #tpu.memory_space<vmem>>, vector<1x1x1x1xf32>
    %get3A_376 = vector.extract %get3A_375[0, 0, 0, 0] : f32 from vector<1x1x1x1xf32>
    %get3A_377 = arith.constant 1 : index
    %get3A_378 = arith.constant 0 : index
    %get3A_379 = arith.constant 0 : index
    %get3A_380 = arith.constant 0 : index
    %get3A_381 = vector.load %arg2[%get3A_377, %get3A_378, %get3A_379, %get3A_380] : memref<2x1x256x128xf32, #tpu.memory_space<vmem>>, vector<1x1x256x128xf32>
    %get3A_382 = vector.shape_cast %get3A_381 : vector<1x1x256x128xf32> to vector<256x128xf32>
    %get3A_383 = arith.constant 1 : index
    %get3A_384 = arith.constant 0 : index
    %get3A_385 = arith.constant 0 : index
    %get3A_386 = arith.constant 0 : index
    %get3A_387 = vector.load %arg3[%get3A_383, %get3A_384, %get3A_385, %get3A_386] : memref<2x1x256x128xf32, #tpu.memory_space<vmem>>, vector<1x1x256x128xf32>
    %get3A_388 = vector.shape_cast %get3A_387 : vector<1x1x256x128xf32> to vector<256x128xf32>
    %select_n3A_389 = arith.select %eq3A_16, %get3A_382, %get3A_388 : vector<256x128xi1>, vector<256x128xf32>
    %select_n3A_390 = arith.select %eq3A_16, %get3A_388, %get3A_382 : vector<256x128xi1>, vector<256x128xf32>
    %get3A_391 = arith.constant 1 : index
    %get3A_392 = arith.constant 0 : index
    %get3A_393 = arith.constant 0 : index
    %get3A_394 = arith.constant 0 : index
    %get3A_395 = vector.load %arg4[%get3A_391, %get3A_392, %get3A_393, %get3A_394] : memref<2x1x256x128xf32, #tpu.memory_space<vmem>>, vector<1x1x256x128xf32>
    %get3A_396 = vector.shape_cast %get3A_395 : vector<1x1x256x128xf32> to vector<256x128xf32>
    %get3A_397 = arith.constant 1 : index
    %get3A_398 = arith.constant 0 : index
    %get3A_399 = arith.constant 0 : index
    %get3A_400 = arith.constant 0 : index
    %get3A_401 = vector.load %arg5[%get3A_397, %get3A_398, %get3A_399, %get3A_400] : memref<2x1x256x128xf32, #tpu.memory_space<vmem>>, vector<1x1x256x128xf32>
    %get3A_402 = vector.shape_cast %get3A_401 : vector<1x1x256x128xf32> to vector<256x128xf32>
    %mul3A_403 = arith.constant 6.28318548 : f32
    %mul3A_404 = vector.broadcast %mul3A_403 : f32 to vector<256x128xf32>
    %mul3A_405 = arith.mulf %select_n3A_389, %mul3A_404 : vector<256x128xf32>
    %mul3A_406 = arith.constant 6.28318548 : f32
    %mul3A_407 = vector.broadcast %mul3A_406 : f32 to vector<256x128xf32>
    %mul3A_408 = arith.mulf %get3A_396, %mul3A_407 : vector<256x128xf32>
    %mul3A_409 = arith.constant 6.28318548 : f32
    %mul3A_410 = vector.broadcast %mul3A_409 : f32 to vector<256x128xf32>
    %mul3A_411 = arith.mulf %select_n3A_390, %mul3A_410 : vector<256x128xf32>
    %slice3A_412 = vector.extract_strided_slice %mul3A_411 {offsets = [255, 0], sizes = [1, 128], strides = [1, 1]} : vector<256x128xf32> to vector<1x128xf32>
    %slice3A_413 = vector.extract_strided_slice %mul3A_411 {offsets = [0, 0], sizes = [255, 128], strides = [1, 1]} : vector<256x128xf32> to vector<255x128xf32>
    %concatenate3A_414 = tpu.concatenate %slice3A_412, %slice3A_413 in 0 : vector<1x128xf32>, vector<255x128xf32> -> vector<256x128xf32>
    %slice3A_415 = vector.extract_strided_slice %mul3A_411 {offsets = [1, 0], sizes = [255, 128], strides = [1, 1]} : vector<256x128xf32> to vector<255x128xf32>
    %slice3A_416 = vector.extract_strided_slice %mul3A_411 {offsets = [0, 0], sizes = [1, 128], strides = [1, 1]} : vector<256x128xf32> to vector<1x128xf32>
    %concatenate3A_417 = tpu.concatenate %slice3A_415, %slice3A_416 in 0 : vector<255x128xf32>, vector<1x128xf32> -> vector<256x128xf32>
    %slice3A_418 = vector.extract_strided_slice %mul3A_411 {offsets = [0, 127], sizes = [256, 1], strides = [1, 1]} : vector<256x128xf32> to vector<256x1xf32>
    %slice3A_419 = vector.extract_strided_slice %mul3A_411 {offsets = [0, 0], sizes = [256, 127], strides = [1, 1]} : vector<256x128xf32> to vector<256x127xf32>
    %concatenate3A_420 = tpu.concatenate %slice3A_418, %slice3A_419 in 1 : vector<256x1xf32>, vector<256x127xf32> -> vector<256x128xf32>
    %slice3A_421 = vector.extract_strided_slice %mul3A_411 {offsets = [0, 1], sizes = [256, 127], strides = [1, 1]} : vector<256x128xf32> to vector<256x127xf32>
    %slice3A_422 = vector.extract_strided_slice %mul3A_411 {offsets = [0, 0], sizes = [256, 1], strides = [1, 1]} : vector<256x128xf32> to vector<256x1xf32>
    %concatenate3A_423 = tpu.concatenate %slice3A_421, %slice3A_422 in 1 : vector<256x127xf32>, vector<256x1xf32> -> vector<256x128xf32>
    %select_n3A_424 = arith.select %eq3A_16, %concatenate3A_420, %mul3A_411 : vector<256x128xi1>, vector<256x128xf32>
    %select_n3A_425 = arith.select %eq3A_16, %mul3A_411, %concatenate3A_423 : vector<256x128xi1>, vector<256x128xf32>
    %sub3A_426 = arith.subf %mul3A_405, %concatenate3A_414 : vector<256x128xf32>
    %cos3A_427 = math.cos %sub3A_426 : vector<256x128xf32>
    %sub3A_428 = arith.subf %mul3A_405, %concatenate3A_417 : vector<256x128xf32>
    %cos3A_429 = math.cos %sub3A_428 : vector<256x128xf32>
    %add3A_430 = arith.addf %cos3A_427, %cos3A_429 : vector<256x128xf32>
    %sub3A_431 = arith.subf %mul3A_405, %select_n3A_424 : vector<256x128xf32>
    %cos3A_432 = math.cos %sub3A_431 : vector<256x128xf32>
    %add3A_433 = arith.addf %add3A_430, %cos3A_432 : vector<256x128xf32>
    %sub3A_434 = arith.subf %mul3A_405, %select_n3A_425 : vector<256x128xf32>
    %cos3A_435 = math.cos %sub3A_434 : vector<256x128xf32>
    %add3A_436 = arith.addf %add3A_433, %cos3A_435 : vector<256x128xf32>
    %neg3A_437 = arith.constant 0.000000e+00 : f32
    %neg3A_438 = vector.broadcast %neg3A_437 : f32 to vector<256x128xf32>
    %neg3A_439 = arith.subf %neg3A_438, %add3A_436 : vector<256x128xf32>
    %sub3A_440 = arith.subf %mul3A_408, %concatenate3A_414 : vector<256x128xf32>
    %cos3A_441 = math.cos %sub3A_440 : vector<256x128xf32>
    %sub3A_442 = arith.subf %mul3A_408, %concatenate3A_417 : vector<256x128xf32>
    %cos3A_443 = math.cos %sub3A_442 : vector<256x128xf32>
    %add3A_444 = arith.addf %cos3A_441, %cos3A_443 : vector<256x128xf32>
    %sub3A_445 = arith.subf %mul3A_408, %select_n3A_424 : vector<256x128xf32>
    %cos3A_446 = math.cos %sub3A_445 : vector<256x128xf32>
    %add3A_447 = arith.addf %add3A_444, %cos3A_446 : vector<256x128xf32>
    %sub3A_448 = arith.subf %mul3A_408, %select_n3A_425 : vector<256x128xf32>
    %cos3A_449 = math.cos %sub3A_448 : vector<256x128xf32>
    %add3A_450 = arith.addf %add3A_447, %cos3A_449 : vector<256x128xf32>
    %neg3A_451 = arith.constant 0.000000e+00 : f32
    %neg3A_452 = vector.broadcast %neg3A_451 : f32 to vector<256x128xf32>
    %neg3A_453 = arith.subf %neg3A_452, %add3A_450 : vector<256x128xf32>
    %sub3A_454 = arith.subf %neg3A_453, %neg3A_439 : vector<256x128xf32>
    %neg3A_455 = arith.constant 0.000000e+00 : f32
    %neg3A_456 = vector.broadcast %neg3A_455 : f32 to vector<256x128xf32>
    %neg3A_457 = arith.subf %neg3A_456, %sub3A_454 : vector<256x128xf32>
    %div3A_458 = vector.broadcast %get3A_376 : f32 to vector<256x128xf32>
    %div3A_459 = arith.divf %neg3A_457, %div3A_458 : vector<256x128xf32>
    %min3A_460 = arith.constant 3.000000e+01 : f32
    %min3A_461 = vector.broadcast %min3A_460 : f32 to vector<256x128xf32>
    %min3A_462 = arith.minimumf %div3A_459, %min3A_461 : vector<256x128xf32>
    %exp3A_463 = math.exp %min3A_462 : vector<256x128xf32>
    %lt3A_464 = arith.cmpf olt, %get3A_402, %exp3A_463 : vector<256x128xf32>
    %select_n3A_465 = arith.select %lt3A_464, %get3A_396, %select_n3A_389 : vector<256x128xi1>, vector<256x128xf32>
    %get3A_466 = arith.constant 1 : index
    %get3A_467 = arith.constant 0 : index
    %get3A_468 = arith.constant 0 : index
    %get3A_469 = arith.constant 0 : index
    %get3A_470 = vector.load %arg6[%get3A_466, %get3A_467, %get3A_468, %get3A_469] : memref<2x1x256x128xf32, #tpu.memory_space<vmem>>, vector<1x1x256x128xf32>
    %get3A_471 = vector.shape_cast %get3A_470 : vector<1x1x256x128xf32> to vector<256x128xf32>
    %get3A_472 = arith.constant 1 : index
    %get3A_473 = arith.constant 0 : index
    %get3A_474 = arith.constant 0 : index
    %get3A_475 = arith.constant 0 : index
    %get3A_476 = vector.load %arg7[%get3A_472, %get3A_473, %get3A_474, %get3A_475] : memref<2x1x256x128xf32, #tpu.memory_space<vmem>>, vector<1x1x256x128xf32>
    %get3A_477 = vector.shape_cast %get3A_476 : vector<1x1x256x128xf32> to vector<256x128xf32>
    %mul3A_478 = arith.constant 6.28318548 : f32
    %mul3A_479 = vector.broadcast %mul3A_478 : f32 to vector<256x128xf32>
    %mul3A_480 = arith.mulf %select_n3A_390, %mul3A_479 : vector<256x128xf32>
    %mul3A_481 = arith.constant 6.28318548 : f32
    %mul3A_482 = vector.broadcast %mul3A_481 : f32 to vector<256x128xf32>
    %mul3A_483 = arith.mulf %get3A_471, %mul3A_482 : vector<256x128xf32>
    %mul3A_484 = arith.constant 6.28318548 : f32
    %mul3A_485 = vector.broadcast %mul3A_484 : f32 to vector<256x128xf32>
    %mul3A_486 = arith.mulf %select_n3A_465, %mul3A_485 : vector<256x128xf32>
    %slice3A_487 = vector.extract_strided_slice %mul3A_486 {offsets = [255, 0], sizes = [1, 128], strides = [1, 1]} : vector<256x128xf32> to vector<1x128xf32>
    %slice3A_488 = vector.extract_strided_slice %mul3A_486 {offsets = [0, 0], sizes = [255, 128], strides = [1, 1]} : vector<256x128xf32> to vector<255x128xf32>
    %concatenate3A_489 = tpu.concatenate %slice3A_487, %slice3A_488 in 0 : vector<1x128xf32>, vector<255x128xf32> -> vector<256x128xf32>
    %slice3A_490 = vector.extract_strided_slice %mul3A_486 {offsets = [1, 0], sizes = [255, 128], strides = [1, 1]} : vector<256x128xf32> to vector<255x128xf32>
    %slice3A_491 = vector.extract_strided_slice %mul3A_486 {offsets = [0, 0], sizes = [1, 128], strides = [1, 1]} : vector<256x128xf32> to vector<1x128xf32>
    %concatenate3A_492 = tpu.concatenate %slice3A_490, %slice3A_491 in 0 : vector<255x128xf32>, vector<1x128xf32> -> vector<256x128xf32>
    %slice3A_493 = vector.extract_strided_slice %mul3A_486 {offsets = [0, 127], sizes = [256, 1], strides = [1, 1]} : vector<256x128xf32> to vector<256x1xf32>
    %slice3A_494 = vector.extract_strided_slice %mul3A_486 {offsets = [0, 0], sizes = [256, 127], strides = [1, 1]} : vector<256x128xf32> to vector<256x127xf32>
    %concatenate3A_495 = tpu.concatenate %slice3A_493, %slice3A_494 in 1 : vector<256x1xf32>, vector<256x127xf32> -> vector<256x128xf32>
    %slice3A_496 = vector.extract_strided_slice %mul3A_486 {offsets = [0, 1], sizes = [256, 127], strides = [1, 1]} : vector<256x128xf32> to vector<256x127xf32>
    %slice3A_497 = vector.extract_strided_slice %mul3A_486 {offsets = [0, 0], sizes = [256, 1], strides = [1, 1]} : vector<256x128xf32> to vector<256x1xf32>
    %concatenate3A_498 = tpu.concatenate %slice3A_496, %slice3A_497 in 1 : vector<256x127xf32>, vector<256x1xf32> -> vector<256x128xf32>
    %select_n3A_499 = arith.select %eq3A_16, %mul3A_486, %concatenate3A_495 : vector<256x128xi1>, vector<256x128xf32>
    %select_n3A_500 = arith.select %eq3A_16, %concatenate3A_498, %mul3A_486 : vector<256x128xi1>, vector<256x128xf32>
    %sub3A_501 = arith.subf %mul3A_480, %concatenate3A_489 : vector<256x128xf32>
    %cos3A_502 = math.cos %sub3A_501 : vector<256x128xf32>
    %sub3A_503 = arith.subf %mul3A_480, %concatenate3A_492 : vector<256x128xf32>
    %cos3A_504 = math.cos %sub3A_503 : vector<256x128xf32>
    %add3A_505 = arith.addf %cos3A_502, %cos3A_504 : vector<256x128xf32>
    %sub3A_506 = arith.subf %mul3A_480, %select_n3A_499 : vector<256x128xf32>
    %cos3A_507 = math.cos %sub3A_506 : vector<256x128xf32>
    %add3A_508 = arith.addf %add3A_505, %cos3A_507 : vector<256x128xf32>
    %sub3A_509 = arith.subf %mul3A_480, %select_n3A_500 : vector<256x128xf32>
    %cos3A_510 = math.cos %sub3A_509 : vector<256x128xf32>
    %add3A_511 = arith.addf %add3A_508, %cos3A_510 : vector<256x128xf32>
    %neg3A_512 = arith.constant 0.000000e+00 : f32
    %neg3A_513 = vector.broadcast %neg3A_512 : f32 to vector<256x128xf32>
    %neg3A_514 = arith.subf %neg3A_513, %add3A_511 : vector<256x128xf32>
    %sub3A_515 = arith.subf %mul3A_483, %concatenate3A_489 : vector<256x128xf32>
    %cos3A_516 = math.cos %sub3A_515 : vector<256x128xf32>
    %sub3A_517 = arith.subf %mul3A_483, %concatenate3A_492 : vector<256x128xf32>
    %cos3A_518 = math.cos %sub3A_517 : vector<256x128xf32>
    %add3A_519 = arith.addf %cos3A_516, %cos3A_518 : vector<256x128xf32>
    %sub3A_520 = arith.subf %mul3A_483, %select_n3A_499 : vector<256x128xf32>
    %cos3A_521 = math.cos %sub3A_520 : vector<256x128xf32>
    %add3A_522 = arith.addf %add3A_519, %cos3A_521 : vector<256x128xf32>
    %sub3A_523 = arith.subf %mul3A_483, %select_n3A_500 : vector<256x128xf32>
    %cos3A_524 = math.cos %sub3A_523 : vector<256x128xf32>
    %add3A_525 = arith.addf %add3A_522, %cos3A_524 : vector<256x128xf32>
    %neg3A_526 = arith.constant 0.000000e+00 : f32
    %neg3A_527 = vector.broadcast %neg3A_526 : f32 to vector<256x128xf32>
    %neg3A_528 = arith.subf %neg3A_527, %add3A_525 : vector<256x128xf32>
    %sub3A_529 = arith.subf %neg3A_528, %neg3A_514 : vector<256x128xf32>
    %neg3A_530 = arith.constant 0.000000e+00 : f32
    %neg3A_531 = vector.broadcast %neg3A_530 : f32 to vector<256x128xf32>
    %neg3A_532 = arith.subf %neg3A_531, %sub3A_529 : vector<256x128xf32>
    %div3A_533 = vector.broadcast %get3A_376 : f32 to vector<256x128xf32>
    %div3A_534 = arith.divf %neg3A_532, %div3A_533 : vector<256x128xf32>
    %min3A_535 = arith.constant 3.000000e+01 : f32
    %min3A_536 = vector.broadcast %min3A_535 : f32 to vector<256x128xf32>
    %min3A_537 = arith.minimumf %div3A_534, %min3A_536 : vector<256x128xf32>
    %exp3A_538 = math.exp %min3A_537 : vector<256x128xf32>
    %lt3A_539 = arith.cmpf olt, %get3A_477, %exp3A_538 : vector<256x128xf32>
    %select_n3A_540 = arith.select %lt3A_539, %get3A_471, %select_n3A_390 : vector<256x128xi1>, vector<256x128xf32>
    %mul3A_541 = arith.constant 6.28318548 : f32
    %mul3A_542 = vector.broadcast %mul3A_541 : f32 to vector<256x128xf32>
    %mul3A_543 = arith.mulf %select_n3A_465, %mul3A_542 : vector<256x128xf32>
    %mul3A_544 = arith.constant 6.28318548 : f32
    %mul3A_545 = vector.broadcast %mul3A_544 : f32 to vector<256x128xf32>
    %mul3A_546 = arith.mulf %select_n3A_540, %mul3A_545 : vector<256x128xf32>
    %mul3A_547 = arith.constant 4.000000e+00 : f32
    %mul3A_548 = vector.broadcast %mul3A_547 : f32 to vector<256x128xf32>
    %mul3A_549 = arith.mulf %select_n3A_465, %mul3A_548 : vector<256x128xf32>
    %add3A_550 = arith.constant 5.000000e-01 : f32
    %add3A_551 = vector.broadcast %add3A_550 : f32 to vector<256x128xf32>
    %add3A_552 = arith.addf %mul3A_549, %add3A_551 : vector<256x128xf32>
    %floor3A_553 = math.floor %add3A_552 : vector<256x128xf32>
    %mul3A_554 = arith.constant 2.500000e-01 : f32
    %mul3A_555 = vector.broadcast %mul3A_554 : f32 to vector<256x128xf32>
    %mul3A_556 = arith.mulf %floor3A_553, %mul3A_555 : vector<256x128xf32>
    %sub3A_557 = arith.subf %select_n3A_465, %mul3A_556 : vector<256x128xf32>
    %convert_element_type3A_558 = arith.fptosi %floor3A_553 : vector<256x128xf32> to vector<256x128xi32>
    %and3A_559 = arith.constant 1 : i32
    %and3A_560 = vector.broadcast %and3A_559 : i32 to vector<256x128xi32>
    %and3A_561 = arith.andi %convert_element_type3A_558, %and3A_560 : vector<256x128xi32>
    %ne3A_562 = arith.constant 0 : i32
    %ne3A_563 = vector.broadcast %ne3A_562 : i32 to vector<256x128xi32>
    %ne3A_564 = arith.cmpi ne, %and3A_561, %ne3A_563 : vector<256x128xi32>
    %and3A_565 = arith.constant 2 : i32
    %and3A_566 = vector.broadcast %and3A_565 : i32 to vector<256x128xi32>
    %and3A_567 = arith.andi %convert_element_type3A_558, %and3A_566 : vector<256x128xi32>
    %ne3A_568 = arith.constant 0 : i32
    %ne3A_569 = vector.broadcast %ne3A_568 : i32 to vector<256x128xi32>
    %ne3A_570 = arith.cmpi ne, %and3A_567, %ne3A_569 : vector<256x128xi32>
    %mul3A_571 = arith.mulf %sub3A_557, %sub3A_557 : vector<256x128xf32>
    %mul3A_572 = arith.constant 60.2446404 : f32
    %mul3A_573 = vector.broadcast %mul3A_572 : f32 to vector<256x128xf32>
    %mul3A_574 = arith.mulf %mul3A_571, %mul3A_573 : vector<256x128xf32>
    %add3A_575 = arith.constant -85.4568176 : f32
    %add3A_576 = vector.broadcast %add3A_575 : f32 to vector<256x128xf32>
    %add3A_577 = arith.addf %add3A_576, %mul3A_574 : vector<256x128xf32>
    %mul3A_578 = arith.mulf %mul3A_571, %add3A_577 : vector<256x128xf32>
    %add3A_579 = arith.constant 64.9393921 : f32
    %add3A_580 = vector.broadcast %add3A_579 : f32 to vector<256x128xf32>
    %add3A_581 = arith.addf %add3A_580, %mul3A_578 : vector<256x128xf32>
    %mul3A_582 = arith.mulf %mul3A_571, %add3A_581 : vector<256x128xf32>
    %add3A_583 = arith.constant -19.7392082 : f32
    %add3A_584 = vector.broadcast %add3A_583 : f32 to vector<256x128xf32>
    %add3A_585 = arith.addf %add3A_584, %mul3A_582 : vector<256x128xf32>
    %mul3A_586 = arith.mulf %mul3A_571, %add3A_585 : vector<256x128xf32>
    %add3A_587 = arith.constant 1.000000e+00 : f32
    %add3A_588 = vector.broadcast %add3A_587 : f32 to vector<256x128xf32>
    %add3A_589 = arith.addf %add3A_588, %mul3A_586 : vector<256x128xf32>
    %mul3A_590 = arith.constant 42.0586929 : f32
    %mul3A_591 = vector.broadcast %mul3A_590 : f32 to vector<256x128xf32>
    %mul3A_592 = arith.mulf %mul3A_571, %mul3A_591 : vector<256x128xf32>
    %add3A_593 = arith.constant -76.7058563 : f32
    %add3A_594 = vector.broadcast %add3A_593 : f32 to vector<256x128xf32>
    %add3A_595 = arith.addf %add3A_594, %mul3A_592 : vector<256x128xf32>
    %mul3A_596 = arith.mulf %mul3A_571, %add3A_595 : vector<256x128xf32>
    %add3A_597 = arith.constant 81.6052475 : f32
    %add3A_598 = vector.broadcast %add3A_597 : f32 to vector<256x128xf32>
    %add3A_599 = arith.addf %add3A_598, %mul3A_596 : vector<256x128xf32>
    %mul3A_600 = arith.mulf %mul3A_571, %add3A_599 : vector<256x128xf32>
    %add3A_601 = arith.constant -4.134170e+01 : f32
    %add3A_602 = vector.broadcast %add3A_601 : f32 to vector<256x128xf32>
    %add3A_603 = arith.addf %add3A_602, %mul3A_600 : vector<256x128xf32>
    %mul3A_604 = arith.mulf %mul3A_571, %add3A_603 : vector<256x128xf32>
    %add3A_605 = arith.constant 6.28318548 : f32
    %add3A_606 = vector.broadcast %add3A_605 : f32 to vector<256x128xf32>
    %add3A_607 = arith.addf %add3A_606, %mul3A_604 : vector<256x128xf32>
    %mul3A_608 = arith.mulf %sub3A_557, %add3A_607 : vector<256x128xf32>
    %select_n3A_609 = arith.select %ne3A_564, %mul3A_608, %add3A_589 : vector<256x128xi1>, vector<256x128xf32>
    %select_n3A_610 = arith.select %ne3A_564, %add3A_589, %mul3A_608 : vector<256x128xi1>, vector<256x128xf32>
    %xor3A_611 = arith.xori %ne3A_564, %ne3A_570 : vector<256x128xi1>
    %neg3A_612 = arith.constant 0.000000e+00 : f32
    %neg3A_613 = vector.broadcast %neg3A_612 : f32 to vector<256x128xf32>
    %neg3A_614 = arith.subf %neg3A_613, %select_n3A_609 : vector<256x128xf32>
    %select_n3A_615 = arith.select %xor3A_611, %neg3A_614, %select_n3A_609 : vector<256x128xi1>, vector<256x128xf32>
    %neg3A_616 = arith.constant 0.000000e+00 : f32
    %neg3A_617 = vector.broadcast %neg3A_616 : f32 to vector<256x128xf32>
    %neg3A_618 = arith.subf %neg3A_617, %select_n3A_610 : vector<256x128xf32>
    %select_n3A_619 = arith.select %ne3A_570, %neg3A_618, %select_n3A_610 : vector<256x128xi1>, vector<256x128xf32>
    %mul3A_620 = arith.constant 4.000000e+00 : f32
    %mul3A_621 = vector.broadcast %mul3A_620 : f32 to vector<256x128xf32>
    %mul3A_622 = arith.mulf %select_n3A_540, %mul3A_621 : vector<256x128xf32>
    %add3A_623 = arith.constant 5.000000e-01 : f32
    %add3A_624 = vector.broadcast %add3A_623 : f32 to vector<256x128xf32>
    %add3A_625 = arith.addf %mul3A_622, %add3A_624 : vector<256x128xf32>
    %floor3A_626 = math.floor %add3A_625 : vector<256x128xf32>
    %mul3A_627 = arith.constant 2.500000e-01 : f32
    %mul3A_628 = vector.broadcast %mul3A_627 : f32 to vector<256x128xf32>
    %mul3A_629 = arith.mulf %floor3A_626, %mul3A_628 : vector<256x128xf32>
    %sub3A_630 = arith.subf %select_n3A_540, %mul3A_629 : vector<256x128xf32>
    %convert_element_type3A_631 = arith.fptosi %floor3A_626 : vector<256x128xf32> to vector<256x128xi32>
    %and3A_632 = arith.constant 1 : i32
    %and3A_633 = vector.broadcast %and3A_632 : i32 to vector<256x128xi32>
    %and3A_634 = arith.andi %convert_element_type3A_631, %and3A_633 : vector<256x128xi32>
    %ne3A_635 = arith.constant 0 : i32
    %ne3A_636 = vector.broadcast %ne3A_635 : i32 to vector<256x128xi32>
    %ne3A_637 = arith.cmpi ne, %and3A_634, %ne3A_636 : vector<256x128xi32>
    %and3A_638 = arith.constant 2 : i32
    %and3A_639 = vector.broadcast %and3A_638 : i32 to vector<256x128xi32>
    %and3A_640 = arith.andi %convert_element_type3A_631, %and3A_639 : vector<256x128xi32>
    %ne3A_641 = arith.constant 0 : i32
    %ne3A_642 = vector.broadcast %ne3A_641 : i32 to vector<256x128xi32>
    %ne3A_643 = arith.cmpi ne, %and3A_640, %ne3A_642 : vector<256x128xi32>
    %mul3A_644 = arith.mulf %sub3A_630, %sub3A_630 : vector<256x128xf32>
    %mul3A_645 = arith.constant 60.2446404 : f32
    %mul3A_646 = vector.broadcast %mul3A_645 : f32 to vector<256x128xf32>
    %mul3A_647 = arith.mulf %mul3A_644, %mul3A_646 : vector<256x128xf32>
    %add3A_648 = arith.constant -85.4568176 : f32
    %add3A_649 = vector.broadcast %add3A_648 : f32 to vector<256x128xf32>
    %add3A_650 = arith.addf %add3A_649, %mul3A_647 : vector<256x128xf32>
    %mul3A_651 = arith.mulf %mul3A_644, %add3A_650 : vector<256x128xf32>
    %add3A_652 = arith.constant 64.9393921 : f32
    %add3A_653 = vector.broadcast %add3A_652 : f32 to vector<256x128xf32>
    %add3A_654 = arith.addf %add3A_653, %mul3A_651 : vector<256x128xf32>
    %mul3A_655 = arith.mulf %mul3A_644, %add3A_654 : vector<256x128xf32>
    %add3A_656 = arith.constant -19.7392082 : f32
    %add3A_657 = vector.broadcast %add3A_656 : f32 to vector<256x128xf32>
    %add3A_658 = arith.addf %add3A_657, %mul3A_655 : vector<256x128xf32>
    %mul3A_659 = arith.mulf %mul3A_644, %add3A_658 : vector<256x128xf32>
    %add3A_660 = arith.constant 1.000000e+00 : f32
    %add3A_661 = vector.broadcast %add3A_660 : f32 to vector<256x128xf32>
    %add3A_662 = arith.addf %add3A_661, %mul3A_659 : vector<256x128xf32>
    %mul3A_663 = arith.constant 42.0586929 : f32
    %mul3A_664 = vector.broadcast %mul3A_663 : f32 to vector<256x128xf32>
    %mul3A_665 = arith.mulf %mul3A_644, %mul3A_664 : vector<256x128xf32>
    %add3A_666 = arith.constant -76.7058563 : f32
    %add3A_667 = vector.broadcast %add3A_666 : f32 to vector<256x128xf32>
    %add3A_668 = arith.addf %add3A_667, %mul3A_665 : vector<256x128xf32>
    %mul3A_669 = arith.mulf %mul3A_644, %add3A_668 : vector<256x128xf32>
    %add3A_670 = arith.constant 81.6052475 : f32
    %add3A_671 = vector.broadcast %add3A_670 : f32 to vector<256x128xf32>
    %add3A_672 = arith.addf %add3A_671, %mul3A_669 : vector<256x128xf32>
    %mul3A_673 = arith.mulf %mul3A_644, %add3A_672 : vector<256x128xf32>
    %add3A_674 = arith.constant -4.134170e+01 : f32
    %add3A_675 = vector.broadcast %add3A_674 : f32 to vector<256x128xf32>
    %add3A_676 = arith.addf %add3A_675, %mul3A_673 : vector<256x128xf32>
    %mul3A_677 = arith.mulf %mul3A_644, %add3A_676 : vector<256x128xf32>
    %add3A_678 = arith.constant 6.28318548 : f32
    %add3A_679 = vector.broadcast %add3A_678 : f32 to vector<256x128xf32>
    %add3A_680 = arith.addf %add3A_679, %mul3A_677 : vector<256x128xf32>
    %mul3A_681 = arith.mulf %sub3A_630, %add3A_680 : vector<256x128xf32>
    %select_n3A_682 = arith.select %ne3A_637, %mul3A_681, %add3A_662 : vector<256x128xi1>, vector<256x128xf32>
    %select_n3A_683 = arith.select %ne3A_637, %add3A_662, %mul3A_681 : vector<256x128xi1>, vector<256x128xf32>
    %xor3A_684 = arith.xori %ne3A_637, %ne3A_643 : vector<256x128xi1>
    %neg3A_685 = arith.constant 0.000000e+00 : f32
    %neg3A_686 = vector.broadcast %neg3A_685 : f32 to vector<256x128xf32>
    %neg3A_687 = arith.subf %neg3A_686, %select_n3A_682 : vector<256x128xf32>
    %select_n3A_688 = arith.select %xor3A_684, %neg3A_687, %select_n3A_682 : vector<256x128xi1>, vector<256x128xf32>
    %neg3A_689 = arith.constant 0.000000e+00 : f32
    %neg3A_690 = vector.broadcast %neg3A_689 : f32 to vector<256x128xf32>
    %neg3A_691 = arith.subf %neg3A_690, %select_n3A_683 : vector<256x128xf32>
    %select_n3A_692 = arith.select %ne3A_643, %neg3A_691, %select_n3A_683 : vector<256x128xi1>, vector<256x128xf32>
    %slice3A_693 = vector.extract_strided_slice %select_n3A_688 {offsets = [1, 0], sizes = [255, 128], strides = [1, 1]} : vector<256x128xf32> to vector<255x128xf32>
    %slice3A_694 = vector.extract_strided_slice %select_n3A_688 {offsets = [0, 0], sizes = [1, 128], strides = [1, 1]} : vector<256x128xf32> to vector<1x128xf32>
    %concatenate3A_695 = tpu.concatenate %slice3A_693, %slice3A_694 in 0 : vector<255x128xf32>, vector<1x128xf32> -> vector<256x128xf32>
    %slice3A_696 = vector.extract_strided_slice %select_n3A_688 {offsets = [0, 1], sizes = [256, 127], strides = [1, 1]} : vector<256x128xf32> to vector<256x127xf32>
    %slice3A_697 = vector.extract_strided_slice %select_n3A_688 {offsets = [0, 0], sizes = [256, 1], strides = [1, 1]} : vector<256x128xf32> to vector<256x1xf32>
    %concatenate3A_698 = tpu.concatenate %slice3A_696, %slice3A_697 in 1 : vector<256x127xf32>, vector<256x1xf32> -> vector<256x128xf32>
    %select_n3A_699 = arith.select %eq3A_16, %select_n3A_688, %concatenate3A_698 : vector<256x128xi1>, vector<256x128xf32>
    %add3A_700 = arith.addf %concatenate3A_695, %select_n3A_699 : vector<256x128xf32>
    %mul3A_701 = arith.mulf %select_n3A_615, %add3A_700 : vector<256x128xf32>
    %slice3A_702 = vector.extract_strided_slice %select_n3A_692 {offsets = [1, 0], sizes = [255, 128], strides = [1, 1]} : vector<256x128xf32> to vector<255x128xf32>
    %slice3A_703 = vector.extract_strided_slice %select_n3A_692 {offsets = [0, 0], sizes = [1, 128], strides = [1, 1]} : vector<256x128xf32> to vector<1x128xf32>
    %concatenate3A_704 = tpu.concatenate %slice3A_702, %slice3A_703 in 0 : vector<255x128xf32>, vector<1x128xf32> -> vector<256x128xf32>
    %slice3A_705 = vector.extract_strided_slice %select_n3A_692 {offsets = [0, 1], sizes = [256, 127], strides = [1, 1]} : vector<256x128xf32> to vector<256x127xf32>
    %slice3A_706 = vector.extract_strided_slice %select_n3A_692 {offsets = [0, 0], sizes = [256, 1], strides = [1, 1]} : vector<256x128xf32> to vector<256x1xf32>
    %concatenate3A_707 = tpu.concatenate %slice3A_705, %slice3A_706 in 1 : vector<256x127xf32>, vector<256x1xf32> -> vector<256x128xf32>
    %select_n3A_708 = arith.select %eq3A_16, %select_n3A_692, %concatenate3A_707 : vector<256x128xi1>, vector<256x128xf32>
    %add3A_709 = arith.addf %concatenate3A_704, %select_n3A_708 : vector<256x128xf32>
    %mul3A_710 = arith.mulf %select_n3A_619, %add3A_709 : vector<256x128xf32>
    %add3A_711 = arith.addf %mul3A_701, %mul3A_710 : vector<256x128xf32>
    %slice3A_712 = vector.extract_strided_slice %select_n3A_615 {offsets = [1, 0], sizes = [255, 128], strides = [1, 1]} : vector<256x128xf32> to vector<255x128xf32>
    %slice3A_713 = vector.extract_strided_slice %select_n3A_615 {offsets = [0, 0], sizes = [1, 128], strides = [1, 1]} : vector<256x128xf32> to vector<1x128xf32>
    %concatenate3A_714 = tpu.concatenate %slice3A_712, %slice3A_713 in 0 : vector<255x128xf32>, vector<1x128xf32> -> vector<256x128xf32>
    %slice3A_715 = vector.extract_strided_slice %select_n3A_615 {offsets = [0, 1], sizes = [256, 127], strides = [1, 1]} : vector<256x128xf32> to vector<256x127xf32>
    %slice3A_716 = vector.extract_strided_slice %select_n3A_615 {offsets = [0, 0], sizes = [256, 1], strides = [1, 1]} : vector<256x128xf32> to vector<256x1xf32>
    %concatenate3A_717 = tpu.concatenate %slice3A_715, %slice3A_716 in 1 : vector<256x127xf32>, vector<256x1xf32> -> vector<256x128xf32>
    %select_n3A_718 = arith.select %eq3A_16, %concatenate3A_717, %select_n3A_615 : vector<256x128xi1>, vector<256x128xf32>
    %add3A_719 = arith.addf %concatenate3A_714, %select_n3A_718 : vector<256x128xf32>
    %mul3A_720 = arith.mulf %select_n3A_688, %add3A_719 : vector<256x128xf32>
    %add3A_721 = arith.addf %add3A_711, %mul3A_720 : vector<256x128xf32>
    %slice3A_722 = vector.extract_strided_slice %select_n3A_619 {offsets = [1, 0], sizes = [255, 128], strides = [1, 1]} : vector<256x128xf32> to vector<255x128xf32>
    %slice3A_723 = vector.extract_strided_slice %select_n3A_619 {offsets = [0, 0], sizes = [1, 128], strides = [1, 1]} : vector<256x128xf32> to vector<1x128xf32>
    %concatenate3A_724 = tpu.concatenate %slice3A_722, %slice3A_723 in 0 : vector<255x128xf32>, vector<1x128xf32> -> vector<256x128xf32>
    %slice3A_725 = vector.extract_strided_slice %select_n3A_619 {offsets = [0, 1], sizes = [256, 127], strides = [1, 1]} : vector<256x128xf32> to vector<256x127xf32>
    %slice3A_726 = vector.extract_strided_slice %select_n3A_619 {offsets = [0, 0], sizes = [256, 1], strides = [1, 1]} : vector<256x128xf32> to vector<256x1xf32>
    %concatenate3A_727 = tpu.concatenate %slice3A_725, %slice3A_726 in 1 : vector<256x127xf32>, vector<256x1xf32> -> vector<256x128xf32>
    %select_n3A_728 = arith.select %eq3A_16, %concatenate3A_727, %select_n3A_619 : vector<256x128xi1>, vector<256x128xf32>
    %add3A_729 = arith.addf %concatenate3A_724, %select_n3A_728 : vector<256x128xf32>
    %mul3A_730 = arith.mulf %select_n3A_692, %add3A_729 : vector<256x128xf32>
    %add3A_731 = arith.addf %add3A_721, %mul3A_730 : vector<256x128xf32>
    %reduce_sum3A_732 = vector.shape_cast %add3A_731 : vector<256x128xf32> to vector<1x256x128xf32>
    %reduce_sum3A_733 = arith.constant dense<0.000000e+00> : vector<1xf32>
    %reduce_sum3A_734 = vector.multi_reduction <add>, %reduce_sum3A_732, %reduce_sum3A_733 [1, 2] : vector<1x256x128xf32> to vector<1xf32>
    %reduce_sum3A_735 = vector.shape_cast %reduce_sum3A_734 : vector<1xf32> to vector<1x1x1xf32>
    %reduce_sum3A_736 = vector.extract %reduce_sum3A_735[0, 0, 0] : f32 from vector<1x1x1xf32>
    %neg3A_737 = arith.constant 0.000000e+00 : f32
    %neg3A_738 = arith.subf %neg3A_737, %reduce_sum3A_736 : f32
    %div3A_739 = arith.constant 1.000000e+00 : f32
    %div3A_740 = arith.divf %div3A_739, %get3A_21 : f32
    %div3A_741 = arith.constant 1.000000e+00 : f32
    %div3A_742 = arith.divf %div3A_741, %get3A_376 : f32
    %sub3A_743 = arith.subf %div3A_740, %div3A_742 : f32
    %sub3A_744 = arith.subf %neg3A_370, %neg3A_738 : f32
    %mul3A_745 = arith.mulf %sub3A_743, %sub3A_744 : f32
    %get3A_746 = arith.constant 0 : index
    %get3A_747 = arith.constant 0 : index
    %get3A_748 = arith.constant 0 : index
    %get3A_749 = arith.constant 0 : index
    %get3A_750 = vector.load %arg9[%get3A_746, %get3A_747, %get3A_748, %get3A_749] : memref<1x1x1x1xf32, #tpu.memory_space<vmem>>, vector<1x1x1x1xf32>
    %get3A_751 = vector.extract %get3A_750[0, 0, 0, 0] : f32 from vector<1x1x1x1xf32>
    %min3A_752 = arith.constant 3.000000e+01 : f32
    %min3A_753 = arith.minimumf %mul3A_745, %min3A_752 : f32
    %exp3A_754 = math.exp %min3A_753 : f32
    %lt3A_755 = arith.cmpf olt, %get3A_751, %exp3A_754 : f32
    %select_n3A_756 = arith.select %lt3A_755, %mul3A_543, %mul3A_179 : vector<256x128xf32>
    %select_n3A_757 = arith.select %lt3A_755, %mul3A_546, %mul3A_182 : vector<256x128xf32>
    %select_n3A_758 = arith.select %lt3A_755, %mul3A_179, %mul3A_543 : vector<256x128xf32>
    %select_n3A_759 = arith.select %lt3A_755, %mul3A_182, %mul3A_546 : vector<256x128xf32>
    %select_n3A_760 = arith.select %lt3A_755, %neg3A_738, %neg3A_370 : f32
    %broadcast_in_dim3A = vector.broadcast %select_n3A_760 : f32 to vector<8x128xf32>
    %swap3A = arith.constant 0 : index
    %swap3A_761 = arith.constant 0 : index
    %swap3A_762 = arith.constant 0 : index
    %swap3A_763 = arith.constant 0 : index
    %swap3A_764 = arith.constant 0 : index
    %swap3A_765 = vector.load %arg12[%swap3A, %swap3A_761, %swap3A_762, %swap3A_763, %swap3A_764] : memref<1x1x2x8x128xf32, #tpu.memory_space<vmem>>, vector<1x1x1x8x128xf32>
    %swap3A_766 = vector.shape_cast %swap3A_765 : vector<1x1x1x8x128xf32> to vector<8x128xf32>
    %swap3A_767 = vector.shape_cast %broadcast_in_dim3A : vector<8x128xf32> to vector<1x1x1x8x128xf32>
    tpu.vector_store %arg12[%swap3A, %swap3A_761, %swap3A_762, %swap3A_763, %swap3A_764], %swap3A_767 {strides = array<i32>} : memref<1x1x2x8x128xf32, #tpu.memory_space<vmem>>, vector<1x1x1x8x128xf32>,
    %select_n3A_768 = arith.select %lt3A_755, %neg3A_370, %neg3A_738 : f32
    %broadcast_in_dim3A_769 = vector.broadcast %select_n3A_768 : f32 to vector<8x128xf32>
    %swap3A_770 = arith.constant 0 : index
    %swap3A_771 = arith.constant 0 : index
    %swap3A_772 = arith.constant 1 : index
    %swap3A_773 = arith.constant 0 : index
    %swap3A_774 = arith.constant 0 : index
    %swap3A_775 = vector.load %arg12[%swap3A_770, %swap3A_771, %swap3A_772, %swap3A_773, %swap3A_774] : memref<1x1x2x8x128xf32, #tpu.memory_space<vmem>>, vector<1x1x1x8x128xf32>
    %swap3A_776 = vector.shape_cast %swap3A_775 : vector<1x1x1x8x128xf32> to vector<8x128xf32>
    %swap3A_777 = vector.shape_cast %broadcast_in_dim3A_769 : vector<8x128xf32> to vector<1x1x1x8x128xf32>
    tpu.vector_store %arg12[%swap3A_770, %swap3A_771, %swap3A_772, %swap3A_773, %swap3A_774], %swap3A_777 {strides = array<i32>} : memref<1x1x2x8x128xf32, #tpu.memory_space<vmem>>, vector<1x1x1x8x128xf32>,
    %select_n3A_778 = arith.select %eq3A_16, %select_n3A_756, %select_n3A_757 : vector<256x128xi1>, vector<256x128xf32>
    %swap3A_779 = arith.constant 0 : index
    %swap3A_780 = arith.constant 0 : index
    %swap3A_781 = arith.constant 0 : index
    %swap3A_782 = arith.constant 0 : index
    %swap3A_783 = vector.load %arg10[%swap3A_779, %swap3A_780, %swap3A_781, %swap3A_782] : memref<2x1x256x128xf32, #tpu.memory_space<vmem>>, vector<1x1x256x128xf32>
    %swap3A_784 = vector.shape_cast %swap3A_783 : vector<1x1x256x128xf32> to vector<256x128xf32>
    %swap3A_785 = vector.shape_cast %select_n3A_778 : vector<256x128xf32> to vector<1x1x256x128xf32>
    tpu.vector_store %arg10[%swap3A_779, %swap3A_780, %swap3A_781, %swap3A_782], %swap3A_785 {strides = array<i32>} : memref<2x1x256x128xf32, #tpu.memory_space<vmem>>, vector<1x1x256x128xf32>,
    %select_n3A_786 = arith.select %eq3A_16, %select_n3A_757, %select_n3A_756 : vector<256x128xi1>, vector<256x128xf32>
    %swap3A_787 = arith.constant 0 : index
    %swap3A_788 = arith.constant 0 : index
    %swap3A_789 = arith.constant 0 : index
    %swap3A_790 = arith.constant 0 : index
    %swap3A_791 = vector.load %arg11[%swap3A_787, %swap3A_788, %swap3A_789, %swap3A_790] : memref<2x1x256x128xf32, #tpu.memory_space<vmem>>, vector<1x1x256x128xf32>
    %swap3A_792 = vector.shape_cast %swap3A_791 : vector<1x1x256x128xf32> to vector<256x128xf32>
    %swap3A_793 = vector.shape_cast %select_n3A_786 : vector<256x128xf32> to vector<1x1x256x128xf32>
    tpu.vector_store %arg11[%swap3A_787, %swap3A_788, %swap3A_789, %swap3A_790], %swap3A_793 {strides = array<i32>} : memref<2x1x256x128xf32, #tpu.memory_space<vmem>>, vector<1x1x256x128xf32>,
    %select_n3A_794 = arith.select %eq3A_16, %select_n3A_758, %select_n3A_759 : vector<256x128xi1>, vector<256x128xf32>
    %swap3A_795 = arith.constant 1 : index
    %swap3A_796 = arith.constant 0 : index
    %swap3A_797 = arith.constant 0 : index
    %swap3A_798 = arith.constant 0 : index
    %swap3A_799 = vector.load %arg10[%swap3A_795, %swap3A_796, %swap3A_797, %swap3A_798] : memref<2x1x256x128xf32, #tpu.memory_space<vmem>>, vector<1x1x256x128xf32>
    %swap3A_800 = vector.shape_cast %swap3A_799 : vector<1x1x256x128xf32> to vector<256x128xf32>
    %swap3A_801 = vector.shape_cast %select_n3A_794 : vector<256x128xf32> to vector<1x1x256x128xf32>
    tpu.vector_store %arg10[%swap3A_795, %swap3A_796, %swap3A_797, %swap3A_798], %swap3A_801 {strides = array<i32>} : memref<2x1x256x128xf32, #tpu.memory_space<vmem>>, vector<1x1x256x128xf32>,
    %select_n3A_802 = arith.select %eq3A_16, %select_n3A_759, %select_n3A_758 : vector<256x128xi1>, vector<256x128xf32>
    %swap3A_803 = arith.constant 1 : index
    %swap3A_804 = arith.constant 0 : index
    %swap3A_805 = arith.constant 0 : index
    %swap3A_806 = arith.constant 0 : index
    %swap3A_807 = vector.load %arg11[%swap3A_803, %swap3A_804, %swap3A_805, %swap3A_806] : memref<2x1x256x128xf32, #tpu.memory_space<vmem>>, vector<1x1x256x128xf32>
    %swap3A_808 = vector.shape_cast %swap3A_807 : vector<1x1x256x128xf32> to vector<256x128xf32>
    %swap3A_809 = vector.shape_cast %select_n3A_802 : vector<256x128xf32> to vector<1x1x256x128xf32>
    tpu.vector_store %arg11[%swap3A_803, %swap3A_804, %swap3A_805, %swap3A_806], %swap3A_809 {strides = array<i32>} : memref<2x1x256x128xf32, #tpu.memory_space<vmem>>, vector<1x1x256x128xf32>,
    return
  }
  func.func @transform_0(%arg0: i32, %arg1: i32) -> (i32, i32, i32, i32) {
    %c0_i32 = arith.constant 0 : i32
    %c0_i32_0 = arith.constant 0 : i32
    %c0_i32_1 = arith.constant 0 : i32
    return %arg0, %arg1, %c0_i32, %c0_i32_0 : i32, i32, i32, i32
  }
  func.func @transform_1(%arg0: i32, %arg1: i32) -> (i32, i32, i32, i32) {
    %c0_i32 = arith.constant 0 : i32
    %c0_i32_0 = arith.constant 0 : i32
    %c0_i32_1 = arith.constant 0 : i32
    return %arg0, %arg1, %c0_i32, %c0_i32_0 : i32, i32, i32, i32
  }
  func.func @transform_2(%arg0: i32, %arg1: i32) -> (i32, i32, i32, i32) {
    %c0_i32 = arith.constant 0 : i32
    %c0_i32_0 = arith.constant 0 : i32
    %c0_i32_1 = arith.constant 0 : i32
    return %arg0, %arg1, %c0_i32, %c0_i32_0 : i32, i32, i32, i32
  }
  func.func @transform_3(%arg0: i32, %arg1: i32) -> (i32, i32, i32, i32) {
    %c0_i32 = arith.constant 0 : i32
    %c0_i32_0 = arith.constant 0 : i32
    %c0_i32_1 = arith.constant 0 : i32
    return %arg0, %arg1, %c0_i32, %c0_i32_0 : i32, i32, i32, i32
  }
  func.func @transform_4(%arg0: i32, %arg1: i32) -> (i32, i32, i32, i32) {
    %c0_i32 = arith.constant 0 : i32
    %c0_i32_0 = arith.constant 0 : i32
    %c0_i32_1 = arith.constant 0 : i32
    return %arg0, %arg1, %c0_i32, %c0_i32_0 : i32, i32, i32, i32
  }
  func.func @transform_5(%arg0: i32, %arg1: i32) -> (i32, i32, i32, i32) {
    %c0_i32 = arith.constant 0 : i32
    %c0_i32_0 = arith.constant 0 : i32
    %c0_i32_1 = arith.constant 0 : i32
    return %arg0, %arg1, %c0_i32, %c0_i32_0 : i32, i32, i32, i32
  }
  func.func @transform_6(%arg0: i32, %arg1: i32) -> (i32, i32, i32, i32) {
    %c0_i32 = arith.constant 0 : i32
    %c0_i32_0 = arith.constant 0 : i32
    %c0_i32_1 = arith.constant 0 : i32
    %c0_i32_2 = arith.constant 0 : i32
    return %arg0, %c0_i32, %c0_i32_0, %c0_i32_1 : i32, i32, i32, i32
  }
  func.func @transform_7(%arg0: i32, %arg1: i32) -> (i32, i32, i32, i32) {
    %c0_i32 = arith.constant 0 : i32
    %c0_i32_0 = arith.constant 0 : i32
    %c0_i32_1 = arith.constant 0 : i32
    return %arg0, %arg1, %c0_i32, %c0_i32_0 : i32, i32, i32, i32
  }
  func.func @transform_8(%arg0: i32, %arg1: i32) -> (i32, i32, i32, i32) {
    %c0_i32 = arith.constant 0 : i32
    %c0_i32_0 = arith.constant 0 : i32
    %c0_i32_1 = arith.constant 0 : i32
    return %arg0, %arg1, %c0_i32, %c0_i32_0 : i32, i32, i32, i32
  }
  func.func @transform_9(%arg0: i32, %arg1: i32) -> (i32, i32, i32, i32) {
    %c0_i32 = arith.constant 0 : i32
    %c0_i32_0 = arith.constant 0 : i32
    %c0_i32_1 = arith.constant 0 : i32
    return %arg0, %arg1, %c0_i32, %c0_i32_0 : i32, i32, i32, i32
  }
  func.func @transform_10(%arg0: i32, %arg1: i32) -> (i32, i32, i32, i32, i32) {
    %c0_i32 = arith.constant 0 : i32
    %c0_i32_0 = arith.constant 0 : i32
    %c0_i32_1 = arith.constant 0 : i32
    %c0_i32_2 = arith.constant 0 : i32
    return %arg0, %arg1, %c0_i32, %c0_i32_0, %c0_i32_1 : i32, i32, i32, i32, i32
  }
}

</mosaic_0001>

<sc_bundles>
// kernel: sparse-core-data-format-call.1.cloned.1.call-start
scs
called_computation.1_lowered:
.L_overlay_start_0:
0x0: {  	s2 =	sld [smem:$0x3FD9]  }
0x1: {  	s3 =	sld [smem:$0x3FFE];
	_ =	sdelay $0x1  }
0x2: {  	s1 =	srdreg.scid  }
0x3: {  	s0 =	sand.u32 $0x1, s1  }
0x4: {  	s15 =	sshll.u32 s0, $0xA;
	s2 =	sadd.s32 s3, s2  }
0x5: {  	s2 =	sadd.s32 s2, s15  }
0x6: {  	[smem:$0x3FC1] =	sst s2  }
0x7: {  	_ = 	snop  }
0x8: {  	s2 =	sld [smem:$0x3FD0];
	_ =	sdelay $0x2  }
0x9: {  	s16 =	simm.s32 $0xA;
	s4 =	simm.s32 $0x10  }
0xa: {  	[smem:s4], [sflag:s16] =	dma.local [hbm:s2], $0x1  }
0xb: {  	_ =	swait.eq [sflag:s16], $0x1  }
0xc: {  	[sflag:s16] =	ssyncset.done $0x0  }
0xd: {  	[sflag:s16] =	ssyncadd.s32 $0xFFFFFFFF  }
0xe: {  	s17 =	sld [smem:$0x10];
	(tm) =	ssettm $0x1  }
0xf: {  	s18 =	sld [smem:$0x3FFB];
	_ =	sdelay $0x3  }
0x10: {  	_ =	strace s18  }
0x11: {  	s3 =	sld [smem:$0x3FFC];
	_ =	sdelay $0x3  }
0x12: {  	_ =	strace s3  }
0x13: {  	s3 =	sld [smem:$0x3FFD];
	_ =	sdelay $0x3  }
0x14: {  	_ =	strace s3  }
0x15: {  	_ =	strace $0x8FFFFFFF  }
0x16: {  	s19 =	sld [smem:$0x3FDB];
	_ =	sdelay $0x1  }
0x17: {  	s20 =	simm.s32 $_scs_section_size  }
0x18: {  	s5 =	simm.s32 $_size__tile_overlayer_lowered;
	s6 =	simm.s32 $_tile_overlayer_lowered  }
0x19: {  	s23 =	simm.s32 $0x1BFF;
	s22 =	sshll.u32 s6, $0x1;
	s3 =	sadd.s32 s20, s19  }
0x1a: {  	s7 =	simm.s32 $0x0;
	s21 =	sshll.u32 s5, $0x1;
	s5 =	sadd.s32 s22, s3  }
0x1b: {  	[timem:s7], [sflag:s23] =	dma.local [hbm:s5], s21  }
0x1c: {  	_ =	swait.ge [sflag:s23], s21  }
0x1d: {  	s4 =	ssub.s32 $0x0, s21;
	[sflag:s23] =	ssyncset.done $0x0  }
0x1e: {  	[sflag:s23] =	ssyncadd.s32 s4;
	_ =	sdelay $0x1  }
0x1f: {  	s24 =	simm.s32 $0x1B8B  }
0x20: {  	_ =	swait.ge [sflag:s24], $0x1  }
0x21: {  	[sflag:s24] =	ssyncset.done $0x0  }
0x22: {  	s26 =	simm.s32 $0x1B8E;
	s25 =	sld [smem:$0x3FFE];
	[sflag:s24] =	ssyncadd.s32 $0xFFFFFFFF  }
0x23: {  	s27 =	simm.s32 $execute0_lowered;
	[smem:$0x3FD2] =	sst s26  }
0x24: {  	s5 =	sshll.u32 s27, $0x1;
	_ =	strace $0x80000046;
	[dreg:$0x1] =	wrdreg $0xFFFFFFFF  }
0x25: {  	s28 =	simm.s32 $_size_execute0_lowered;
	s3 =	sadd.s32 s3, s5;
	[dreg:$0x0] =	wrdreg $0x0  }
0x26: {  	s5 =	sshll.u32 s28, $0x1;
	[dreg:$0x2] =	wrdreg s3  }
0x27: {  	[dreg:$0x3] =	wrdreg s5  }
0x28: {  	[dreg:$0x4] =	wrdreg $0xC0  }
0x29: {  	_ =	task [dreg:s7], $0x5FFFF  }
0x2a: {  	[dreg:$0x1] =	wrdreg $0xFFFFFFFF  }
0x2b: {  	[dreg:$0x0] =	wrdreg $0x60  }
0x2c: {  	[dreg:$0x2] =	wrdreg s17  }
0x2d: {  	[dreg:$0x3] =	wrdreg s25  }
0x2e: {  	[dreg:$0x4] =	wrdreg $0x9  }
0x2f: {  	_ =	task.clear_ibuf [dreg:s7], $0x5FFFF;
	_ =	strace $0x90000046  }
0x30: {  	s29 =	simm.s32 $0x9;
	_ =	strace $0x80000048  }
0x31: {  	_ =	swait.ge [sflag:s29], $0x1  }
0x32: {  	[sflag:s29] =	ssyncadd.s32 $0xFFFFFFFF  }
0x33: {  	_ =	strace $0x90000048  }
0x34: {  	_ =	sfence  }
0x35: {  	s30 =	sld [smem:$0x0];
	_ =	sdelay $0x2  }
0x36: {  	s31 =	sshll.u32 s1, $0xD;
	s1 =	sshrl.u32 s1, $0x2  }
0x37: {  	s3 =	sand.u32 $0x4000, s31;
	s1 =	sadd.s32 s1, s30  }
0x38: {  	s0 =	sor.u32 s3, s0;
	s1 =	sshll.u32 s1, $0x11  }
0x39: {  	s0 =	sor.u32 s1, s0  }
0x3a: {  	s0 =	sadd.s32 $0x8F2B, s0  }
0x3b: {  	[sflag:s0] =	ssyncadd.remote.s32 $0x1  }
0x3c: {  	_ =	sfence.sel $0xFFFF  }
0x3d: {  	[dreg:$0x0] =	wrdreg $0xFFFFFFFF;
	(pc) =	sbr.abs _section_cstart, $3  }
0x3e: {  	[dreg:$0x1] =	wrdreg $0xFFFFFFFF  }
0x3f: {  	_ =	task.clear_ibuf [dreg:s7], $0x2FFFF;
	_ =	strace $0x9FFFFFFF  }
0x40: {  	(tm) =	ssettm $0x7FFFFFFF  }
0x41: {  	_ =	shalt  }
tec
execute0_lowered:
.L_overlay_start_1:
0x0: {  	(tag) =	ssettag $0x1  }
0x1: {  	s2 =	rddreg [dreg:$0x0]  }
0x2: {  	s0 =	stileid.u32;
	s4 =	rddreg [dreg:$0x1]  }
0x3: {  	s1 =	rddreg [dreg:$0x2];
	s6 =	srdreg.scid  }
0x4: {  	_ =	strace $0x80000047;
	s9 =	simm.s32 $0x2;
	s15 =	simm.s32 $0x0  }
0x5: {  	p0 =	por $0x0, $0x0;
	s18 =	simm.s32 $0x0;
	s16 =	simm.s32 $0x0  }
0x6: {  	s17 =	simm.s32 $0x0;
	s10 =	simm.s32 $0x0;
	s3 =	sand.u32 $0x1, s0  }
0x7: {  	s11 =	simm.s32 $0x0;
	s14 =	simm.s32 $0x0;
	s5 =	ssub.s32 $0x2, s3  }
0x8: {  	s6 =	sshll.u32 s6, $0x4;
	s4 =	sadd.s32 $0x9600, s4;
	s7 =	sshll.u32 s5, $0x1  }
.Ltmp0:
0x9: {  	s6 =	sand.u32 $0x10, s6;
	s7 =	sand.u32 $0x2, s7;
	(pc) =	sbr.rel .LBB1_1-.Ltmp0, $4  }
0xa: {  	s13 =	smov.u32 s3;
	s7 =	sadd.s32 s5, s7;
	s5 =	simm.s32 $0x1  }
0xb: {  	s8 =	sor.u32 s0, s6;
	s31 =	sshll.u32 s7, $0x4;
	[sflag:s5] =	ssyncpa.u1 $0x0  }
0xc: {  	s7 =	sshrl.u32 s8, $0x1;
	s6 =	sand.u32 $0x60, s31;
	[sflag:s9] =	ssyncpa.u1 $0x0  }
0xd: {  	s9 =	simm.s32 $0x1000;
	s12 =	smov.u32 s7;
	s8 =	sor.u32 $0x1, s6  }
.LBB1_4:
0xe: {  	v5 =	vld [tilespmem:s22+$0xFFFFFFD0];
	[tilespmem:s21+$0x2040 ss:$0x81] =	vst.msk $0xffff, v1  }
0xf: {  	v58 =	vld [tilespmem:s22+$0xFFFFFFE0];
	[tilespmem:s21+$0x2850 ss:$0x81] =	vst.msk $0xffff, v2  }
0x10: {  	s23 =	sshra.s32 s23, $0x2;
	v59 =	vld [tilespmem:s22+$0xFFFFFFF0];
	[tilespmem:s21+$0x3060 ss:$0x81] =	vst.msk $0xffff, v3  }
0x11: {  	v60 =	vld [tilespmem:s22+$0x0];
	[tilespmem:s21+$0x0 ss:$0x81] =	vst.msk $0xffff, v0;
	s20 =	sadd.s32 s23, s20  }
0x12: {  	v61 =	vld [tilespmem:s22+$0x10];
	[tilespmem:s20+$0x3870 ss:$0x81] =	vst.msk $0xffff, v4  }
0x13: {  	v62 =	vld [tilespmem:s22+$0x20];
	[tilespmem:s20+$0x810 ss:$0x81] =	vst.msk $0xffff, v5  }
0x14: {  	v63 =	vld [tilespmem:s22+$0xFFFFFFC0];
	s29 =	sshll.u32 s15, $0x3;
	s18 =	sshll.u32 s18, $0x7;
	[tilespmem:s20+$0x1020 ss:$0x81] =	vst.msk $0xffff, v58  }
0x15: {  	s30 =	sand.u32 $0x78, s15;
	s16 =	sshll.u32 s16, $0x10;
	s18 =	sand.u32 $0x380, s18;
	[tilespmem:s20+$0x1830 ss:$0x81] =	vst.msk $0xffff, v59  }
0x16: {  	s17 =	sshll.u32 s17, $0x8;
	s21 =	sand.u32 $0x400, s29;
	s18 =	sor.u32 s30, s18;
	[tilespmem:s20+$0x2040 ss:$0x81] =	vst.msk $0xffff, v60  }
0x17: {  	s31 =	sand.u32 $0x7, s15;
	s17 =	sadd.s32 s4, s17;
	s18 =	sor.u32 s21, s18;
	[tilespmem:s20+$0x2850 ss:$0x81] =	vst.msk $0xffff, v61  }
0x18: {  	s15 =	sshll.u32 s31, $0x12;
	s16 =	sadd.s32 s16, s17;
	s18 =	sshrl.u32 s18, $0x3;
	[tilespmem:s20+$0x3060 ss:$0x81] =	vst.msk $0xffff, v62  }
0x19: {  	s15 =	sor.u32 $0x80, s15;
	[tilespmem:s20+$0x0 ss:$0x81] =	vst.msk $0xffff, v63;
	s16 =	sadd.s32 s18, s16  }
0x1a: {  	[hbm4b:s16+s15] =	stream.strided.scatter [tilespmem:s19], [sflag:$0x2], $0x4000, s9, s15, $0x20;
	[tilespmem:$0x10100] =	vst v63  }
.LBB1_5:
0x1b: {  	s19 =	sadd.s32 $0x80, s10  }
0x1c: {  	s15 =	simm.s32 $0x1;
	p2 =	sgt.s32 s19, $0xFF  }
0x1d: {  	s15 =	simm.s32 @!p2 $0x0  }
0x1e: {  	s20 =	sadd.s32 s15, s11  }
0x1f: {  	s21 =	smov.u32 s12;
	s15 =	sadd.s32 $0x10, s12;
	p3 =	sgt.s32 s20, $0x7  }
0x20: {  	s21 =	smov.u32 @p3 s15  }
0x21: {  	s22 =	smov.u32 s13;
	s15 =	sadd.s32 $0x2, s13;
	p4 =	sgt.s32 s21, $0x1F  }
0x22: {  	p1 =	slt.u32 s14, $0x2;
	s22 =	smov.u32 @p4 s15  }
0x23: {  	s18 =	smov.u32 s11;
	s19 =	simm.s32 @p2 $0x0;
	p2 =	sgt.s32 s22, $0x1  }
0x24: {  	s23 =	simm.s32 @!p1 $0x2;
	s22 =	smov.u32 @p2 s3;
	p2 =	sne.s32 s14, s8  }
.Ltmp1:
0x25: {  	s16 =	smov.u32 s12;
	_ =	swait.ge @!p1 [sflag:s23], $0x4000;
	(pc) =	sbr.rel @!p2 .LBB1_6-.Ltmp1, $4  }
0x26: {  	s17 =	smov.u32 s13;
	[sflag:s23] =	ssyncset.done @!p1 $0x0;
	s20 =	simm.s32 @p3 $0x0  }
0x27: {  	p0 =	por !p0, !p0;
	[sflag:s23] =	ssyncadd.s32 @!p1 $0xFFFFC000;
	s11 =	smov.u32 s20  }
0x28: {  	s21 =	smov.u32 @p4 s7;
	s15 =	smov.u32 s10;
	s10 =	smov.u32 s19  }
0x29: {  	s12 =	smov.u32 s21;
	s14 =	sadd.s32 $0x1, s14;
	s13 =	smov.u32 s22  }
.LBB1_1:
0x2a: {  	p1 =	sge.u32 s14, s6  }
0x2b: {  	s31 =	sadd.s32 $0xFFFFFFFF, s14;
	s19 =	sshll.u32 @!p1 s13, $0x14  }
0x2c: {  	s20 =	sxor.u32 @!p1 $0xFFFFFFFF, s14;
	s21 =	sshll.u32 @!p1 s12, $0xF;
	s19 =	sadd.s32 @!p1 s2, s19  }
0x2d: {  	s22 =	sshll.u32 @!p1 s11, $0xC;
	s23 =	sshll.u32 @!p1 s10, $0x4;
	s19 =	sadd.s32 @!p1 s21, s19  }
0x2e: {  	s20 =	sshll.u32 @!p1 s20, $0xE;
	s21 =	sand.u32 @!p1 $0xFF0, s23;
	s19 =	sadd.s32 @!p1 s22, s19  }
0x2f: {  	s20 =	sand.u32 @!p1 $0x4000, s20;
	s19 =	sadd.s32 @!p1 s21, s19;
	s21 =	simm.s32 @!p1 $0x0  }
0x30: {  	[tilespmem:s20], [sflag:$0x1] =	stream.linear.gather @!p1 [hbm4b:s19+s21], $0x4000, $0x38;
	[tilespmem:$0x10100] =	vst v63  }
0x31: {  	p1 =	sge.u32 s31, s6  }
.Ltmp2:
0x32: {  	_ = 	snop;
	(pc) =	sbr.rel @p1 .LBB1_5-.Ltmp2, $1  }
0x33: {  	_ =	sdelay $0x3  }
0x34: {  	s19 =	simm.s32 $0x1  }
0x35: {  	_ =	swait.ge [sflag:s5], $0x4000;
	s19 =	simm.s32 @!p0 $0x0  }
0x36: {  	[sflag:s5] =	ssyncset.done $0x0;
	s20 =	sshll.u32 s19, $0xE  }
0x37: {  	[sflag:s5] =	ssyncadd.s32 $0xFFFFC000;
	s22 =	sor.u32 $0x40, s20  }
0x38: {  	s19 =	smul.u32 $0x10200, s19;
	v0 =	vld [tilespmem:s22+$0x30]  }
0x39: {  	v3 =	vld [tilespmem:s22+$0xFFFFFFD0]  }
0x3a: {  	s19 =	sshrl.u32 s19, $0x2;
	v4 =	vld [tilespmem:s22+$0xFFFFFFE0]  }
0x3b: {  	v5 =	vld [tilespmem:s22+$0xFFFFFFF0];
	s20 =	sor.u32 $0x8000, s19  }
0x3c: {  	s31 =	sand.u32 $0x1, s14;
	v1 =	vld [tilespmem:s22+$0x0];
	s21 =	sadd.s32 $0x0, s20  }
0x3d: {  	v2 =	vld [tilespmem:s22+$0x10];
	s19 =	smul.u32 $0x10200, s31;
	[tilespmem:s21+$0x3870 ss:$0x81] =	vst.msk $0xffff, v0  }
0x3e: {  	[tilespmem:s21+$0x810 ss:$0x81] =	vst.msk $0xffff, v3;
	v3 =	vld [tilespmem:s22+$0x20]  }
0x3f: {  	s19 =	sshrl.u32 s19, $0x2;
	v0 =	vld [tilespmem:s22+$0xFFFFFFC0];
	[tilespmem:s21+$0x1020 ss:$0x81] =	vst.msk $0xffff, v4;
	s22 =	sadd.s32 $0x80, s22  }
0x40: {  	s23 =	simm.s32 $0x4;
	s24 =	simm.s32 $0x8;
	s19 =	sor.u32 $0x8000, s19;
	[tilespmem:s21+$0x1830 ss:$0x81] =	vst.msk $0xffff, v5;
	v4 =	vld [tilespmem:s22+$0x30]  }
.LBB1_3:
0x41: {  	p1 =	sne.s32 s24, $0x1FC;
	v5 =	vld [tilespmem:s22+$0xFFFFFFD0];
	[tilespmem:s21+$0x2040 ss:$0x81] =	vst.msk $0xffff, v1  }
0x42: {  	v6 =	vld [tilespmem:s22+$0xFFFFFFE0];
	[tilespmem:s21+$0x2850 ss:$0x81] =	vst.msk $0xffff, v2  }
0x43: {  	s25 =	sshra.s32 s23, $0x2;
	s23 =	smov.u32 s24;
	v7 =	vld [tilespmem:s22+$0xFFFFFFF0];
	[tilespmem:s21+$0x3060 ss:$0x81] =	vst.msk $0xffff, v3  }
.Ltmp3:
0x44: {  	v1 =	vld [tilespmem:s22+$0x0];
	[tilespmem:s21+$0x0 ss:$0x81] =	vst.msk $0xffff, v0;
	s21 =	sadd.s32 s25, s20;
	(pc) =	sbr.rel @p1 .LBB1_3-.Ltmp3, $4  }
0x45: {  	v2 =	vld [tilespmem:s22+$0x10];
	[tilespmem:s21+$0x3870 ss:$0x81] =	vst.msk $0xffff, v4  }
0x46: {  	[tilespmem:s21+$0x810 ss:$0x81] =	vst.msk $0xffff, v5;
	v3 =	vld [tilespmem:s22+$0x20]  }
0x47: {  	v0 =	vld [tilespmem:s22+$0xFFFFFFC0];
	[tilespmem:s21+$0x1020 ss:$0x81] =	vst.msk $0xffff, v6;
	s22 =	sadd.s32 $0x80, s22  }
0x48: {  	s24 =	sadd.s32 $0x4, s24;
	v4 =	vld [tilespmem:s22+$0x30];
	[tilespmem:s21+$0x1830 ss:$0x81] =	vst.msk $0xffff, v7  }
.Ltmp4:
0x49: {  	_ = 	snop;
	(pc) =	sbr.rel .LBB1_4-.Ltmp4, $1  }
0x4a: {  	_ =	sdelay $0x3  }
.LBB1_6:
0x4b: {  	_ =	sfence.sel $0x180000  }
0x4c: {  	s2 =	simm.s32 $0x1;
	[bflag:$0x0] =	sbarrier.arrive $0xFFFF  }
0x4d: {  	s31 =	simm.s32 $0x2;
	[sflag:s2] =	ssyncpa.u1 $0x1  }
0x4e: {  	[sflag:s31] =	ssyncpa.u1 $0x1  }
0x4f: {  	p0 =	sne.s32 s0, $0x0;
	_ =	strace $0x90000047  }
0x50: {  	s0 =	sadd.s32 @!p0 $0x100000, s1;
	[bflag:$0x2] =	sbarrier.arrive $0xFFFF  }
0x51: {  	[sflag:s0] =	ssyncadd.tile.s32 @!p0 $0x1;
	_ =	shalt  }
.Lfunc_end1:
_tile_overlayer_lowered:
.L_overlay_start_2:
0x52: {  	(tag) =	ssettag $0x2  }
0x53: {  	s0 =	rddreg [dreg:$0x0];
	s2 =	stileid.u32  }
0x54: {  	s1 =	rddreg [dreg:$0x1];
	p0 =	sne.s32 s2, $0x0  }
0x55: {  	s3 =	rddreg [dreg:$0x2];
	[bflag:$0x3] =	sbarrier.arrive $0xFFFF;
	s2 =	simm.s32 @!p0 $0x1C01  }
0x56: {  	[timem:s3], [sflag:s2] =	dma.local @!p0 [hbm:s0], s1  }
0x57: {  	s0 =	simm.s32 @!p0 $0x1  }
0x58: {  	_ =	swait.ge @!p0 [sflag:s0], s1  }
0x59: {  	s1 =	ssub.s32 @!p0 $0x0, s1;
	[sflag:s0] =	ssyncset.done @!p0 $0x0  }
0x5a: {  	[sflag:s0] =	ssyncadd.s32 @!p0 s1  }
0x5b: {  	[bflag:$0x3] =	sbarrier.arrive $0xFFFF  }
0x5c: {  	_ =	shalt  }

// kernel: sparse-core-data-format-call.cloned.1.call-start
scs
called_computation_lowered:
.L_overlay_start_0:
0x0: {  	s2 =	sld [smem:$0x3FD9]  }
0x1: {  	s3 =	sld [smem:$0x3FFE];
	_ =	sdelay $0x1  }
0x2: {  	s1 =	srdreg.scid  }
0x3: {  	s0 =	sand.u32 $0x1, s1  }
0x4: {  	s15 =	sshll.u32 s0, $0xA;
	s2 =	sadd.s32 s3, s2  }
0x5: {  	s2 =	sadd.s32 s2, s15  }
0x6: {  	[smem:$0x3FC1] =	sst s2  }
0x7: {  	_ = 	snop  }
0x8: {  	s2 =	sld [smem:$0x3FD0];
	_ =	sdelay $0x2  }
0x9: {  	s16 =	simm.s32 $0xA;
	s4 =	simm.s32 $0x10  }
0xa: {  	[smem:s4], [sflag:s16] =	dma.local [hbm:s2], $0x1  }
0xb: {  	_ =	swait.eq [sflag:s16], $0x1  }
0xc: {  	[sflag:s16] =	ssyncset.done $0x0  }
0xd: {  	[sflag:s16] =	ssyncadd.s32 $0xFFFFFFFF  }
0xe: {  	s17 =	sld [smem:$0x10];
	(tm) =	ssettm $0x1  }
0xf: {  	s18 =	sld [smem:$0x3FFB];
	_ =	sdelay $0x3  }
0x10: {  	_ =	strace s18  }
0x11: {  	s3 =	sld [smem:$0x3FFC];
	_ =	sdelay $0x3  }
0x12: {  	_ =	strace s3  }
0x13: {  	s3 =	sld [smem:$0x3FFD];
	_ =	sdelay $0x3  }
0x14: {  	_ =	strace s3  }
0x15: {  	_ =	strace $0x8FFFFFFF  }
0x16: {  	s19 =	sld [smem:$0x3FDB];
	_ =	sdelay $0x1  }
0x17: {  	s20 =	simm.s32 $_scs_section_size  }
0x18: {  	s5 =	simm.s32 $_size__tile_overlayer_lowered;
	s6 =	simm.s32 $_tile_overlayer_lowered  }
0x19: {  	s23 =	simm.s32 $0x1BFF;
	s22 =	sshll.u32 s6, $0x1;
	s3 =	sadd.s32 s20, s19  }
0x1a: {  	s7 =	simm.s32 $0x0;
	s21 =	sshll.u32 s5, $0x1;
	s5 =	sadd.s32 s22, s3  }
0x1b: {  	[timem:s7], [sflag:s23] =	dma.local [hbm:s5], s21  }
0x1c: {  	_ =	swait.ge [sflag:s23], s21  }
0x1d: {  	s4 =	ssub.s32 $0x0, s21;
	[sflag:s23] =	ssyncset.done $0x0  }
0x1e: {  	[sflag:s23] =	ssyncadd.s32 s4;
	_ =	sdelay $0x1  }
0x1f: {  	s24 =	simm.s32 $0x1B8B  }
0x20: {  	_ =	swait.ge [sflag:s24], $0x1  }
0x21: {  	[sflag:s24] =	ssyncset.done $0x0  }
0x22: {  	s26 =	simm.s32 $0x1B8E;
	s25 =	sld [smem:$0x3FFE];
	[sflag:s24] =	ssyncadd.s32 $0xFFFFFFFF  }
0x23: {  	s27 =	simm.s32 $execute0_lowered;
	[smem:$0x3FD2] =	sst s26  }
0x24: {  	s5 =	sshll.u32 s27, $0x1;
	_ =	strace $0x80000049;
	[dreg:$0x1] =	wrdreg $0xFFFFFFFF  }
0x25: {  	s28 =	simm.s32 $_size_execute0_lowered;
	s3 =	sadd.s32 s3, s5;
	[dreg:$0x0] =	wrdreg $0x0  }
0x26: {  	s5 =	sshll.u32 s28, $0x1;
	[dreg:$0x2] =	wrdreg s3  }
0x27: {  	[dreg:$0x3] =	wrdreg s5  }
0x28: {  	[dreg:$0x4] =	wrdreg $0xC0  }
0x29: {  	_ =	task [dreg:s7], $0x5FFFF  }
0x2a: {  	[dreg:$0x1] =	wrdreg $0xFFFFFFFF  }
0x2b: {  	[dreg:$0x0] =	wrdreg $0x60  }
0x2c: {  	[dreg:$0x2] =	wrdreg s25  }
0x2d: {  	[dreg:$0x3] =	wrdreg s17  }
0x2e: {  	[dreg:$0x4] =	wrdreg $0x9  }
0x2f: {  	_ =	task.clear_ibuf [dreg:s7], $0x5FFFF;
	_ =	strace $0x90000049  }
0x30: {  	s29 =	simm.s32 $0x9;
	_ =	strace $0x8000004B  }
0x31: {  	_ =	swait.ge [sflag:s29], $0x1  }
0x32: {  	[sflag:s29] =	ssyncadd.s32 $0xFFFFFFFF  }
0x33: {  	_ =	strace $0x9000004B  }
0x34: {  	_ =	sfence  }
0x35: {  	s30 =	sld [smem:$0x0];
	_ =	sdelay $0x2  }
0x36: {  	s31 =	sshll.u32 s1, $0xD;
	s1 =	sshrl.u32 s1, $0x2  }
0x37: {  	s3 =	sand.u32 $0x4000, s31;
	s1 =	sadd.s32 s1, s30  }
0x38: {  	s0 =	sor.u32 s3, s0;
	s1 =	sshll.u32 s1, $0x11  }
0x39: {  	s0 =	sor.u32 s1, s0  }
0x3a: {  	s0 =	sadd.s32 $0x8F2B, s0  }
0x3b: {  	[sflag:s0] =	ssyncadd.remote.s32 $0x1  }
0x3c: {  	_ =	sfence.sel $0xFFFF  }
0x3d: {  	[dreg:$0x0] =	wrdreg $0xFFFFFFFF;
	(pc) =	sbr.abs _section_cstart, $3  }
0x3e: {  	[dreg:$0x1] =	wrdreg $0xFFFFFFFF  }
0x3f: {  	_ =	task.clear_ibuf [dreg:s7], $0x2FFFF;
	_ =	strace $0x9FFFFFFF  }
0x40: {  	(tm) =	ssettm $0x7FFFFFFF  }
0x41: {  	_ =	shalt  }
tec
execute0_lowered:
.L_overlay_start_1:
0x0: {  	(tag) =	ssettag $0x1  }
0x1: {  	s1 =	rddreg [dreg:$0x0]  }
0x2: {  	s2 =	rddreg [dreg:$0x1]  }
0x3: {  	s0 =	rddreg [dreg:$0x2];
	_ =	strace $0x8000004A;
	s4 =	srdreg.scid  }
0x4: {  	s6 =	simm.s32 $0x2;
	s15 =	simm.s32 $0x0;
	p0 =	por $0x0, $0x0  }
0x5: {  	s13 =	simm.s32 $0x0;
	s12 =	simm.s32 $0x0;
	s14 =	simm.s32 $0x0  }
.Ltmp0:
0x6: {  	s8 =	simm.s32 $0x0;
	s9 =	simm.s32 $0x0;
	(pc) =	sbr.rel .LBB1_1-.Ltmp0, $4  }
0x7: {  	s10 =	simm.s32 $0x0;
	s3 =	sadd.s32 $0x9600, s1;
	s5 =	sshll.u32 s4, $0x4  }
0x8: {  	s1 =	stileid.u32;
	s4 =	simm.s32 $0x1;
	s5 =	sand.u32 $0x10, s5  }
0x9: {  	s7 =	simm.s32 $0x0;
	[sflag:s4] =	ssyncpa.u1 $0x0;
	s5 =	sor.u32 s1, s5  }
0xa: {  	[sflag:s6] =	ssyncpa.u1 $0x0;
	s6 =	simm.s32 $0x800;
	s11 =	smov.u32 s5  }
.LBB1_5:
0xb: {  	s16 =	sadd.s32 $0x80, s8  }
0xc: {  	s12 =	simm.s32 $0x1;
	p2 =	sgt.s32 s16, $0xFF  }
0xd: {  	s12 =	simm.s32 @!p2 $0x0  }
0xe: {  	s17 =	sadd.s32 s12, s9  }
0xf: {  	s18 =	smov.u32 s10;
	s12 =	sadd.s32 $0x80, s10;
	p3 =	sgt.s32 s17, $0x7  }
0x10: {  	s18 =	smov.u32 @p3 s12  }
0x11: {  	s19 =	smov.u32 s11;
	s12 =	sadd.s32 $0x20, s11;
	p4 =	sgt.s32 s18, $0xFF  }
0x12: {  	p1 =	slt.u32 s7, $0x2;
	s19 =	smov.u32 @p4 s12  }
0x13: {  	s7 =	sadd.s32 $0x1, s7;
	s16 =	simm.s32 @p2 $0x0;
	p2 =	sgt.s32 s19, $0x1F  }
0x14: {  	s15 =	smov.u32 s8;
	s19 =	smov.u32 @p2 s5;
	p2 =	sne.s32 s7, $0x22  }
.Ltmp1:
0x15: {  	s13 =	smov.u32 s9;
	s20 =	simm.s32 @!p1 $0x2;
	(pc) =	sbr.rel @!p2 .LBB1_6-.Ltmp1, $4  }
0x16: {  	s14 =	smov.u32 s11;
	p0 =	por !p0, !p0;
	_ =	swait.ge @!p1 [sflag:s20], $0x4000  }
0x17: {  	[sflag:s20] =	ssyncset.done @!p1 $0x0;
	s8 =	smov.u32 s16;
	s17 =	simm.s32 @p3 $0x0  }
0x18: {  	[sflag:s20] =	ssyncadd.s32 @!p1 $0xFFFFC000;
	s9 =	smov.u32 s17;
	s18 =	simm.s32 @p4 $0x0  }
0x19: {  	s12 =	smov.u32 s10;
	s10 =	smov.u32 s18;
	s11 =	smov.u32 s19  }
.LBB1_1:
0x1a: {  	p1 =	sgt.u32 s7, $0x1F  }
0x1b: {  	s16 =	sxor.u32 @!p1 $0xFFFFFFFF, s7;
	s17 =	sshll.u32 @!p1 s8, $0x3  }
0x1c: {  	s18 =	sshll.u32 @!p1 s9, $0x7;
	s19 =	sand.u32 @!p1 $0x78, s8;
	s20 =	sshll.u32 @!p1 s11, $0x10  }
0x1d: {  	s21 =	sshll.u32 @!p1 s10, $0x8;
	s16 =	sshll.u32 @!p1 s16, $0xE;
	s18 =	sand.u32 @!p1 $0x380, s18  }
0x1e: {  	s17 =	sand.u32 @!p1 $0x400, s17;
	s16 =	sand.u32 @!p1 $0x4000, s16;
	s18 =	sor.u32 @!p1 s19, s18  }
0x1f: {  	s19 =	sand.u32 @!p1 $0x7, s8;
	s17 =	sor.u32 @!p1 s17, s18;
	s18 =	sadd.s32 @!p1 s3, s20  }
0x20: {  	s19 =	sshll.u32 @!p1 s19, $0x12;
	s17 =	sshrl.u32 @!p1 s17, $0x3;
	s18 =	sadd.s32 @!p1 s21, s18  }
0x21: {  	s17 =	sadd.s32 @!p1 s17, s18;
	s18 =	sor.u32 @!p1 $0x80, s19;
	s19 =	simm.s32 @!p1 $0x800  }
0x22: {  	[tilespmem:s16], [sflag:$0x1] =	stream.strided.gather @!p1 [hbm4b:s17+s18], $0x4000, s19, s18, $0x38;
	[tilespmem:$0x10100] =	vst v63  }
0x23: {  	p1 =	seq.s32 s7, $0x0  }
0x24: {  	p2 =	seq.s32 @!p1 s7, $0x21  }
0x25: {  	p1 =	por p1, p2  }
.Ltmp2:
0x26: {  	_ = 	snop;
	(pc) =	sbr.rel @p1 .LBB1_5-.Ltmp2, $1  }
0x27: {  	_ =	sdelay $0x3  }
0x28: {  	s16 =	simm.s32 $0x1  }
0x29: {  	_ =	swait.ge [sflag:s4], $0x4000;
	s16 =	simm.s32 @!p0 $0x0  }
0x2a: {  	[sflag:s4] =	ssyncset.done $0x0;
	s17 =	sshll.u32 s16, $0xE  }
0x2b: {  	[sflag:s4] =	ssyncadd.s32 $0xFFFFC000;
	s18 =	sor.u32 $0x40, s17  }
0x2c: {  	s16 =	smul.u32 $0x10200, s16;
	v0 =	vld [tilespmem:s18+$0x30]  }
0x2d: {  	v3 =	vld [tilespmem:s18+$0xFFFFFFD0]  }
0x2e: {  	s16 =	sshrl.u32 s16, $0x2;
	v4 =	vld [tilespmem:s18+$0xFFFFFFE0]  }
0x2f: {  	v5 =	vld [tilespmem:s18+$0xFFFFFFF0];
	s17 =	sor.u32 $0x8000, s16  }
0x30: {  	s31 =	sand.u32 $0x1, s7;
	v1 =	vld [tilespmem:s18+$0x0];
	s19 =	sadd.s32 $0x0, s17  }
0x31: {  	v2 =	vld [tilespmem:s18+$0x10];
	s16 =	smul.u32 $0x10200, s31;
	[tilespmem:s19+$0x3870 ss:$0x81] =	vst.msk $0xffff, v0  }
0x32: {  	[tilespmem:s19+$0x810 ss:$0x81] =	vst.msk $0xffff, v3;
	v3 =	vld [tilespmem:s18+$0x20]  }
0x33: {  	s16 =	sshrl.u32 s16, $0x2;
	v0 =	vld [tilespmem:s18+$0xFFFFFFC0];
	[tilespmem:s19+$0x1020 ss:$0x81] =	vst.msk $0xffff, v4;
	s18 =	sadd.s32 $0x80, s18  }
0x34: {  	s20 =	simm.s32 $0x4;
	s21 =	simm.s32 $0x8;
	s16 =	sor.u32 $0x8000, s16;
	[tilespmem:s19+$0x1830 ss:$0x81] =	vst.msk $0xffff, v5;
	v4 =	vld [tilespmem:s18+$0x30]  }
.LBB1_3:
0x35: {  	p1 =	sne.s32 s21, $0x1FC;
	v5 =	vld [tilespmem:s18+$0xFFFFFFD0];
	[tilespmem:s19+$0x2040 ss:$0x81] =	vst.msk $0xffff, v1  }
0x36: {  	v6 =	vld [tilespmem:s18+$0xFFFFFFE0];
	[tilespmem:s19+$0x2850 ss:$0x81] =	vst.msk $0xffff, v2  }
0x37: {  	s22 =	sshra.s32 s20, $0x2;
	s20 =	smov.u32 s21;
	v7 =	vld [tilespmem:s18+$0xFFFFFFF0];
	[tilespmem:s19+$0x3060 ss:$0x81] =	vst.msk $0xffff, v3  }
.Ltmp3:
0x38: {  	v1 =	vld [tilespmem:s18+$0x0];
	[tilespmem:s19+$0x0 ss:$0x81] =	vst.msk $0xffff, v0;
	s19 =	sadd.s32 s22, s17;
	(pc) =	sbr.rel @p1 .LBB1_3-.Ltmp3, $4  }
0x39: {  	v2 =	vld [tilespmem:s18+$0x10];
	[tilespmem:s19+$0x3870 ss:$0x81] =	vst.msk $0xffff, v4  }
0x3a: {  	[tilespmem:s19+$0x810 ss:$0x81] =	vst.msk $0xffff, v5;
	v3 =	vld [tilespmem:s18+$0x20]  }
0x3b: {  	v0 =	vld [tilespmem:s18+$0xFFFFFFC0];
	[tilespmem:s19+$0x1020 ss:$0x81] =	vst.msk $0xffff, v6;
	s18 =	sadd.s32 $0x80, s18  }
0x3c: {  	s21 =	sadd.s32 $0x4, s21;
	v4 =	vld [tilespmem:s18+$0x30];
	[tilespmem:s19+$0x1830 ss:$0x81] =	vst.msk $0xffff, v7  }
0x3d: {  	v5 =	vld [tilespmem:s18+$0xFFFFFFD0];
	[tilespmem:s19+$0x2040 ss:$0x81] =	vst.msk $0xffff, v1  }
0x3e: {  	v58 =	vld [tilespmem:s18+$0xFFFFFFE0];
	[tilespmem:s19+$0x2850 ss:$0x81] =	vst.msk $0xffff, v2  }
0x3f: {  	s20 =	sshra.s32 s20, $0x2;
	v59 =	vld [tilespmem:s18+$0xFFFFFFF0];
	[tilespmem:s19+$0x3060 ss:$0x81] =	vst.msk $0xffff, v3  }
0x40: {  	v60 =	vld [tilespmem:s18+$0x0];
	s25 =	sand.u32 $0x78, s12;
	s17 =	sadd.s32 s20, s17;
	[tilespmem:s19+$0x0 ss:$0x81] =	vst.msk $0xffff, v0  }
0x41: {  	v61 =	vld [tilespmem:s18+$0x10];
	s26 =	sshll.u32 s15, $0x8;
	s21 =	sshll.u32 s12, $0x3;
	s27 =	sshll.u32 s15, $0x7;
	[tilespmem:s17+$0x3870 ss:$0x81] =	vst.msk $0xffff, v4  }
0x42: {  	v62 =	vld [tilespmem:s18+$0x20];
	s14 =	sshll.u32 s14, $0x10;
	s13 =	sshll.u32 s13, $0xD;
	s30 =	sand.u32 $0x7, s12;
	[tilespmem:s17+$0x810 ss:$0x81] =	vst.msk $0xffff, v5  }
0x43: {  	v63 =	vld [tilespmem:s18+$0xFFFFFFC0];
	s20 =	sand.u32 $0xF800, s26;
	s21 =	sand.u32 $0xFC00, s21;
	s29 =	sand.u32 $0x300, s27;
	[tilespmem:s17+$0x1020 ss:$0x81] =	vst.msk $0xffff, v58  }
0x44: {  	s15 =	sand.u32 $0x80, s27;
	s14 =	sadd.s32 s2, s14;
	s28 =	sadd.s32 s21, s20;
	[tilespmem:s17+$0x1830 ss:$0x81] =	vst.msk $0xffff, v59  }
.Ltmp4:
0x45: {  	s15 =	sor.u32 s25, s15;
	s18 =	sor.u32 s29, s28;
	[tilespmem:s17+$0x2040 ss:$0x81] =	vst.msk $0xffff, v60;
	(pc) =	sbr.rel .LBB1_5-.Ltmp4, $4  }
0x46: {  	s13 =	sadd.s32 s13, s14;
	s15 =	sshrl.u32 s15, $0x3;
	s18 =	sshrl.u32 s18, $0x3;
	[tilespmem:s17+$0x2850 ss:$0x81] =	vst.msk $0xffff, v61  }
0x47: {  	s12 =	sshll.u32 s30, $0x12;
	s13 =	sadd.s32 s15, s13;
	[tilespmem:s17+$0x3060 ss:$0x81] =	vst.msk $0xffff, v62;
	s31 =	sand.u32 $0x1FE0, s18  }
0x48: {  	s12 =	sor.u32 $0x400, s12;
	[tilespmem:s17+$0x0 ss:$0x81] =	vst.msk $0xffff, v63;
	s13 =	sadd.s32 s31, s13  }
0x49: {  	[hbm4b:s13+s12] =	stream.strided.scatter [tilespmem:s16], [sflag:$0x2], $0x4000, s6, s12, $0x20;
	[tilespmem:$0x10100] =	vst v63  }
.LBB1_6:
0x4a: {  	_ =	sfence.sel $0x180000  }
0x4b: {  	s2 =	simm.s32 $0x1;
	[bflag:$0x0] =	sbarrier.arrive $0xFFFF  }
0x4c: {  	s31 =	simm.s32 $0x2;
	[sflag:s2] =	ssyncpa.u1 $0x1  }
0x4d: {  	[sflag:s31] =	ssyncpa.u1 $0x1  }
0x4e: {  	p0 =	sne.s32 s1, $0x0;
	_ =	strace $0x9000004A  }
0x4f: {  	s0 =	sadd.s32 @!p0 $0x100000, s0;
	[bflag:$0x2] =	sbarrier.arrive $0xFFFF  }
0x50: {  	[sflag:s0] =	ssyncadd.tile.s32 @!p0 $0x1;
	_ =	shalt  }
.Lfunc_end1:
_tile_overlayer_lowered:
.L_overlay_start_2:
0x51: {  	(tag) =	ssettag $0x2  }
0x52: {  	s0 =	rddreg [dreg:$0x0];
	s2 =	stileid.u32  }
0x53: {  	s1 =	rddreg [dreg:$0x1];
	p0 =	sne.s32 s2, $0x0  }
0x54: {  	s3 =	rddreg [dreg:$0x2];
	[bflag:$0x3] =	sbarrier.arrive $0xFFFF;
	s2 =	simm.s32 @!p0 $0x1C01  }
0x55: {  	[timem:s3], [sflag:s2] =	dma.local @!p0 [hbm:s0], s1  }
0x56: {  	s0 =	simm.s32 @!p0 $0x1  }
0x57: {  	_ =	swait.ge @!p0 [sflag:s0], s1  }
0x58: {  	s1 =	ssub.s32 @!p0 $0x0, s1;
	[sflag:s0] =	ssyncset.done @!p0 $0x0  }
0x59: {  	[sflag:s0] =	ssyncadd.s32 @!p0 s1  }
0x5a: {  	[bflag:$0x3] =	sbarrier.arrive $0xFFFF  }
0x5b: {  	_ =	shalt  }

</sc_bundles>
